<compile_context>
chip_gen: v7x
topology: tpu7x:2x2x1
jax: 0.10.2.dev20260603
libtpu: 0.0.44.dev20260713+nightly
codegen_flags: <defaults>
</compile_context>

<pallas_src>
import functools

import jax
import jax.numpy as jnp
from jax import lax
from jax.experimental import pallas as pl
from jax.experimental.pallas import tpu as pltpu
from jax.experimental.pallas import tpu_sc as plsc

_K = 256
_NC = 2
_NS = 16
_NW = _NC * _NS
_L = 16
_UNROLL = 8


def _orderable(v):
    b = lax.bitcast_convert_type(v, jnp.int32)
    return b ^ (lax.shift_right_arithmetic(b, 31) & jnp.int32(0x7FFFFFFF))


def _count_cmp(ord_ref, cand, nv, strict):
    cand_v = jnp.full((_L,), cand, jnp.int32)

    def cnt(i, acc):
        for j in range(_UNROLL):
            o = ord_ref[pl.ds((i * _UNROLL + j) * _L, _L)]
            m = (o > cand_v) if strict else (o >= cand_v)
            acc = acc + m.astype(jnp.int32)
        return acc

    acc = lax.fori_loop(0, nv // _UNROLL, cnt, jnp.zeros((_L,), jnp.int32))
    return jnp.sum(acc)


def _row_topk_mask(ord_ref, out_ref, r, nv):

    def bitstep(bi, t):
        cand = t + lax.shift_left(jnp.int32(1), jnp.int32(31) - bi)
        c = _count_cmp(ord_ref, cand, nv, strict=False)
        return jnp.where(c >= _K, cand, t)

    t0 = jnp.int32(-2147483647 - 1)
    thr = lax.fori_loop(0, 32, bitstep, t0)

    c_gt = _count_cmp(ord_ref, thr, nv, strict=True)
    need = jnp.int32(_K) - c_gt
    thr_v = jnp.full((_L,), thr, jnp.int32)

    def mask_step(i, off):
        o = ord_ref[pl.ds(i * _L, _L)]
        m_gt = o > thr_v
        m_eq = o == thr_v
        e = m_eq.astype(jnp.int32)
        pc = plsc.cumsum(e)
        rank = (pc - e) + off
        sel = m_gt | (m_eq & (rank < need))
        out_ref[r, pl.ds(i * _L, _L)] = jnp.where(sel, 1.0, 0.0).astype(jnp.float32)
        return off + jnp.sum(e)

    lax.fori_loop(0, nv, mask_step, jnp.int32(0))


@functools.cache
def _build(bsz, slen):
    rows_per = bsz // _NW
    nv = slen // _L
    mesh = plsc.VectorSubcoreMesh(
        core_axis_name="c", subcore_axis_name="s",
        num_cores=_NC, num_subcores=_NS,
    )

    @functools.partial(
        pl.kernel,
        out_type=jax.ShapeDtypeStruct((bsz, slen), jnp.float32),
        mesh=mesh,
        scratch_types=[
            pltpu.VMEM((rows_per, slen), jnp.float32),
            pltpu.VMEM((rows_per, slen), jnp.float32),
            pltpu.VMEM((slen,), jnp.int32),
        ],
        compiler_params=pltpu.CompilerParams(needs_layout_passes=False),
    )
    def k(score_hbm, out_hbm, rows_v, out_v, ord_v):
        wid = lax.axis_index("s") * _NC + lax.axis_index("c")
        base = wid * rows_per
        pltpu.sync_copy(score_hbm.at[pl.ds(base, rows_per)], rows_v)
        for r in range(rows_per):
            def pre(i, _):
                for j in range(_UNROLL):
                    idx = (i * _UNROLL + j) * _L
                    v = rows_v[r, pl.ds(idx, _L)]
                    ord_v[pl.ds(idx, _L)] = _orderable(v)
                return 0

            lax.fori_loop(0, nv // _UNROLL, pre, 0)
            _row_topk_mask(ord_v, out_v, r, nv)
        pltpu.sync_copy(out_v, out_hbm.at[pl.ds(base, rows_per)])

    return k


@jax.jit
def kernel(score):
    bsz, slen = score.shape
    return _build(bsz, slen)(score)

# --- scband reference (transcript-rebuilt; emitter-appended) ---
"""Pipeline reference for scband-selecter-topk-5205500362802 (READ-ONLY COPY).

The authoritative reference and input builder live on the scoring server;
editing this copy changes nothing except your own understanding.
"""

import jax, jax.numpy as jnp
import numpy as np

K = 256

def setup_inputs(seed: int = 0) -> dict:
    key = jax.random.key(seed)
    score = jax.random.normal(key, (64, 8192), dtype=jnp.float32)
    return {"score": score}

def reference(score):
    # SelecterTopk.forward with k=256, p=None:
    # result = zeros_like(score); scatter 1 at top-k indices along dim=1
    bsz, slen = score.shape
    _, top_indices = jax.lax.top_k(score, K)
    result = jnp.zeros_like(score)
    rows = jnp.arange(bsz)[:, None]
    result = result.at[rows, top_indices].set(1.0)
    return result

if __name__ == "__main__":
    import jax
    _d = setup_inputs()
    print(jax.jit(kernel)(*tuple(_d.values())))

</pallas_src>

<mosaic_0001>
#map = affine_map<(d0, d1) -> (0, 0)>
module attributes {stable_mosaic.version = 14 : i64} {
  func.func @k(%arg0: i32, %arg1: i32, %arg2: memref<64x8192xf32, #tpu.memory_space<hbm>>, %arg3: memref<64x8192xf32, #tpu.memory_space<hbm>>, %arg4: memref<2x8192xf32, #tpu.memory_space<vmem>>, %arg5: memref<2x8192xf32, #tpu.memory_space<vmem>>, %arg6: memref<8192xi32, #tpu.memory_space<vmem>>) attributes {dimension_semantics = [#tpu.dimension_semantics<core_parallel>, #tpu.dimension_semantics<subcore_parallel>], iteration_bounds = array<i64: 2, 16>, scalar_prefetch = 0 : i64, scratch_operands = 3 : i64, tpu.core_type = #tpu.core_type<sc_vector_subcore>, window_params = [{transform_indices = #map}, {transform_indices = #map}]} {
    %mul3A = arith.constant 2 : i32
    %mul3A_0 = arith.muli %arg1, %mul3A : i32
    %add3A = arith.addi %mul3A_0, %arg0 : i32
    %mul3A_1 = arith.constant 2 : i32
    %mul3A_2 = arith.muli %add3A, %mul3A_1 : i32
    "tpu.region"() ({
      %run_scoped3A = tpu.sem_alloc : memref<!tpu.dma_semaphore, #tpu.memory_space<semaphore_mem>>
      %dma_start3A = arith.constant 0 : i32
      %dma_start3A_73 = tpu.memref_slice %arg2[%mul3A_2, %dma_start3A] : memref<64x8192xf32, #tpu.memory_space<hbm>> -> memref<2x8192xf32, #tpu.memory_space<hbm>>
      %dma_start3A_74 = arith.constant 0 : i32
      %dma_start3A_75 = tpu.memref_slice %arg2[%mul3A_2, %dma_start3A_74] : memref<64x8192xf32, #tpu.memory_space<hbm>> -> memref<2x8192xf32, #tpu.memory_space<hbm>>
      tpu.enqueue_dma source(%dma_start3A_75 : memref<2x8192xf32, #tpu.memory_space<hbm>>) target(%arg4 : memref<2x8192xf32, #tpu.memory_space<vmem>>) target_semaphore(%run_scoped3A : memref<!tpu.dma_semaphore, #tpu.memory_space<semaphore_mem>>)
      %dma_wait3A = arith.constant 0 : i32
      %dma_wait3A_76 = tpu.memref_slice %arg2[%mul3A_2, %dma_wait3A] : memref<64x8192xf32, #tpu.memory_space<hbm>> -> memref<2x8192xf32, #tpu.memory_space<hbm>>
      %dma_wait3A_77 = arith.constant 0 : i32
      %dma_wait3A_78 = tpu.memref_slice %arg2[%mul3A_2, %dma_wait3A_77] : memref<64x8192xf32, #tpu.memory_space<hbm>> -> memref<2x8192xf32, #tpu.memory_space<hbm>>
      tpu.wait_dma2 semaphore(%run_scoped3A : memref<!tpu.dma_semaphore, #tpu.memory_space<semaphore_mem>>) src(%dma_wait3A_78 : memref<2x8192xf32, #tpu.memory_space<hbm>>) dst(%arg4 : memref<2x8192xf32, #tpu.memory_space<vmem>>)
      tpu.yield
    }) : () -> ()
    %scan3A = arith.constant 0 : i32
    %scan3A_3 = arith.constant 0 : i32
    %scan3A_4 = arith.constant 64 : i32
    %scan3A_5 = arith.addi %scan3A_3, %scan3A_4 : i32
    %scan3A_6 = arith.constant 1 : i32
    %scan3A_7 = scf.for %scan3A_73 = %scan3A_3 to %scan3A_5 step %scan3A_6 iter_args(%scan3A_74 = %scan3A) -> (i32)  : i32 {
      %mul3A_75 = arith.constant 8 : i32
      %mul3A_76 = arith.muli %scan3A_73, %mul3A_75 : i32
      %add3A_77 = arith.constant 0 : i32
      %add3A_78 = arith.addi %mul3A_76, %add3A_77 : i32
      %mul3A_79 = arith.constant 16 : i32
      %mul3A_80 = arith.muli %add3A_78, %mul3A_79 : i32
      %get3A = arith.constant 0 : i32
      %get3A_81 = arith.index_cast %get3A : i32 to index
      %get3A_82 = arith.index_cast %mul3A_80 : i32 to index
      %get3A_83 = tpu.vector_load %arg4[%get3A_81, %get3A_82] {strides = array<i32>} : memref<2x8192xf32, #tpu.memory_space<vmem>>, vector<16xf32>,
      %bitcast_convert_type3A = tpu.bitcast %get3A_83 : vector<16xf32> -> vector<16xi32>
      %shift_right_arithmetic3A = arith.constant 31 : i32
      %shift_right_arithmetic3A_84 = vector.broadcast %shift_right_arithmetic3A : i32 to vector<16xi32>
      %shift_right_arithmetic3A_85 = arith.shrsi %bitcast_convert_type3A, %shift_right_arithmetic3A_84 : vector<16xi32>
      %and3A = arith.constant 2147483647 : i32
      %and3A_86 = vector.broadcast %and3A : i32 to vector<16xi32>
      %and3A_87 = arith.andi %shift_right_arithmetic3A_85, %and3A_86 : vector<16xi32>
      %xor3A = arith.xori %bitcast_convert_type3A, %and3A_87 : vector<16xi32>
      %swap3A = arith.index_cast %mul3A_80 : i32 to index
      %swap3A_88 = tpu.vector_load %arg6[%swap3A] {strides = array<i32>} : memref<8192xi32, #tpu.memory_space<vmem>>, vector<16xi32>,
      tpu.vector_store %arg6[%swap3A], %xor3A {strides = array<i32>} : memref<8192xi32, #tpu.memory_space<vmem>>, vector<16xi32>,
      %mul3A_89 = arith.constant 8 : i32
      %mul3A_90 = arith.muli %scan3A_73, %mul3A_89 : i32
      %add3A_91 = arith.constant 1 : i32
      %add3A_92 = arith.addi %mul3A_90, %add3A_91 : i32
      %mul3A_93 = arith.constant 16 : i32
      %mul3A_94 = arith.muli %add3A_92, %mul3A_93 : i32
      %get3A_95 = arith.constant 0 : i32
      %get3A_96 = arith.index_cast %get3A_95 : i32 to index
      %get3A_97 = arith.index_cast %mul3A_94 : i32 to index
      %get3A_98 = tpu.vector_load %arg4[%get3A_96, %get3A_97] {strides = array<i32>} : memref<2x8192xf32, #tpu.memory_space<vmem>>, vector<16xf32>,
      %bitcast_convert_type3A_99 = tpu.bitcast %get3A_98 : vector<16xf32> -> vector<16xi32>
      %shift_right_arithmetic3A_100 = arith.constant 31 : i32
      %shift_right_arithmetic3A_101 = vector.broadcast %shift_right_arithmetic3A_100 : i32 to vector<16xi32>
      %shift_right_arithmetic3A_102 = arith.shrsi %bitcast_convert_type3A_99, %shift_right_arithmetic3A_101 : vector<16xi32>
      %and3A_103 = arith.constant 2147483647 : i32
      %and3A_104 = vector.broadcast %and3A_103 : i32 to vector<16xi32>
      %and3A_105 = arith.andi %shift_right_arithmetic3A_102, %and3A_104 : vector<16xi32>
      %xor3A_106 = arith.xori %bitcast_convert_type3A_99, %and3A_105 : vector<16xi32>
      %swap3A_107 = arith.index_cast %mul3A_94 : i32 to index
      %swap3A_108 = tpu.vector_load %arg6[%swap3A_107] {strides = array<i32>} : memref<8192xi32, #tpu.memory_space<vmem>>, vector<16xi32>,
      tpu.vector_store %arg6[%swap3A_107], %xor3A_106 {strides = array<i32>} : memref<8192xi32, #tpu.memory_space<vmem>>, vector<16xi32>,
      %mul3A_109 = arith.constant 8 : i32
      %mul3A_110 = arith.muli %scan3A_73, %mul3A_109 : i32
      %add3A_111 = arith.constant 2 : i32
      %add3A_112 = arith.addi %mul3A_110, %add3A_111 : i32
      %mul3A_113 = arith.constant 16 : i32
      %mul3A_114 = arith.muli %add3A_112, %mul3A_113 : i32
      %get3A_115 = arith.constant 0 : i32
      %get3A_116 = arith.index_cast %get3A_115 : i32 to index
      %get3A_117 = arith.index_cast %mul3A_114 : i32 to index
      %get3A_118 = tpu.vector_load %arg4[%get3A_116, %get3A_117] {strides = array<i32>} : memref<2x8192xf32, #tpu.memory_space<vmem>>, vector<16xf32>,
      %bitcast_convert_type3A_119 = tpu.bitcast %get3A_118 : vector<16xf32> -> vector<16xi32>
      %shift_right_arithmetic3A_120 = arith.constant 31 : i32
      %shift_right_arithmetic3A_121 = vector.broadcast %shift_right_arithmetic3A_120 : i32 to vector<16xi32>
      %shift_right_arithmetic3A_122 = arith.shrsi %bitcast_convert_type3A_119, %shift_right_arithmetic3A_121 : vector<16xi32>
      %and3A_123 = arith.constant 2147483647 : i32
      %and3A_124 = vector.broadcast %and3A_123 : i32 to vector<16xi32>
      %and3A_125 = arith.andi %shift_right_arithmetic3A_122, %and3A_124 : vector<16xi32>
      %xor3A_126 = arith.xori %bitcast_convert_type3A_119, %and3A_125 : vector<16xi32>
      %swap3A_127 = arith.index_cast %mul3A_114 : i32 to index
      %swap3A_128 = tpu.vector_load %arg6[%swap3A_127] {strides = array<i32>} : memref<8192xi32, #tpu.memory_space<vmem>>, vector<16xi32>,
      tpu.vector_store %arg6[%swap3A_127], %xor3A_126 {strides = array<i32>} : memref<8192xi32, #tpu.memory_space<vmem>>, vector<16xi32>,
      %mul3A_129 = arith.constant 8 : i32
      %mul3A_130 = arith.muli %scan3A_73, %mul3A_129 : i32
      %add3A_131 = arith.constant 3 : i32
      %add3A_132 = arith.addi %mul3A_130, %add3A_131 : i32
      %mul3A_133 = arith.constant 16 : i32
      %mul3A_134 = arith.muli %add3A_132, %mul3A_133 : i32
      %get3A_135 = arith.constant 0 : i32
      %get3A_136 = arith.index_cast %get3A_135 : i32 to index
      %get3A_137 = arith.index_cast %mul3A_134 : i32 to index
      %get3A_138 = tpu.vector_load %arg4[%get3A_136, %get3A_137] {strides = array<i32>} : memref<2x8192xf32, #tpu.memory_space<vmem>>, vector<16xf32>,
      %bitcast_convert_type3A_139 = tpu.bitcast %get3A_138 : vector<16xf32> -> vector<16xi32>
      %shift_right_arithmetic3A_140 = arith.constant 31 : i32
      %shift_right_arithmetic3A_141 = vector.broadcast %shift_right_arithmetic3A_140 : i32 to vector<16xi32>
      %shift_right_arithmetic3A_142 = arith.shrsi %bitcast_convert_type3A_139, %shift_right_arithmetic3A_141 : vector<16xi32>
      %and3A_143 = arith.constant 2147483647 : i32
      %and3A_144 = vector.broadcast %and3A_143 : i32 to vector<16xi32>
      %and3A_145 = arith.andi %shift_right_arithmetic3A_142, %and3A_144 : vector<16xi32>
      %xor3A_146 = arith.xori %bitcast_convert_type3A_139, %and3A_145 : vector<16xi32>
      %swap3A_147 = arith.index_cast %mul3A_134 : i32 to index
      %swap3A_148 = tpu.vector_load %arg6[%swap3A_147] {strides = array<i32>} : memref<8192xi32, #tpu.memory_space<vmem>>, vector<16xi32>,
      tpu.vector_store %arg6[%swap3A_147], %xor3A_146 {strides = array<i32>} : memref<8192xi32, #tpu.memory_space<vmem>>, vector<16xi32>,
      %mul3A_149 = arith.constant 8 : i32
      %mul3A_150 = arith.muli %scan3A_73, %mul3A_149 : i32
      %add3A_151 = arith.constant 4 : i32
      %add3A_152 = arith.addi %mul3A_150, %add3A_151 : i32
      %mul3A_153 = arith.constant 16 : i32
      %mul3A_154 = arith.muli %add3A_152, %mul3A_153 : i32
      %get3A_155 = arith.constant 0 : i32
      %get3A_156 = arith.index_cast %get3A_155 : i32 to index
      %get3A_157 = arith.index_cast %mul3A_154 : i32 to index
      %get3A_158 = tpu.vector_load %arg4[%get3A_156, %get3A_157] {strides = array<i32>} : memref<2x8192xf32, #tpu.memory_space<vmem>>, vector<16xf32>,
      %bitcast_convert_type3A_159 = tpu.bitcast %get3A_158 : vector<16xf32> -> vector<16xi32>
      %shift_right_arithmetic3A_160 = arith.constant 31 : i32
      %shift_right_arithmetic3A_161 = vector.broadcast %shift_right_arithmetic3A_160 : i32 to vector<16xi32>
      %shift_right_arithmetic3A_162 = arith.shrsi %bitcast_convert_type3A_159, %shift_right_arithmetic3A_161 : vector<16xi32>
      %and3A_163 = arith.constant 2147483647 : i32
      %and3A_164 = vector.broadcast %and3A_163 : i32 to vector<16xi32>
      %and3A_165 = arith.andi %shift_right_arithmetic3A_162, %and3A_164 : vector<16xi32>
      %xor3A_166 = arith.xori %bitcast_convert_type3A_159, %and3A_165 : vector<16xi32>
      %swap3A_167 = arith.index_cast %mul3A_154 : i32 to index
      %swap3A_168 = tpu.vector_load %arg6[%swap3A_167] {strides = array<i32>} : memref<8192xi32, #tpu.memory_space<vmem>>, vector<16xi32>,
      tpu.vector_store %arg6[%swap3A_167], %xor3A_166 {strides = array<i32>} : memref<8192xi32, #tpu.memory_space<vmem>>, vector<16xi32>,
      %mul3A_169 = arith.constant 8 : i32
      %mul3A_170 = arith.muli %scan3A_73, %mul3A_169 : i32
      %add3A_171 = arith.constant 5 : i32
      %add3A_172 = arith.addi %mul3A_170, %add3A_171 : i32
      %mul3A_173 = arith.constant 16 : i32
      %mul3A_174 = arith.muli %add3A_172, %mul3A_173 : i32
      %get3A_175 = arith.constant 0 : i32
      %get3A_176 = arith.index_cast %get3A_175 : i32 to index
      %get3A_177 = arith.index_cast %mul3A_174 : i32 to index
      %get3A_178 = tpu.vector_load %arg4[%get3A_176, %get3A_177] {strides = array<i32>} : memref<2x8192xf32, #tpu.memory_space<vmem>>, vector<16xf32>,
      %bitcast_convert_type3A_179 = tpu.bitcast %get3A_178 : vector<16xf32> -> vector<16xi32>
      %shift_right_arithmetic3A_180 = arith.constant 31 : i32
      %shift_right_arithmetic3A_181 = vector.broadcast %shift_right_arithmetic3A_180 : i32 to vector<16xi32>
      %shift_right_arithmetic3A_182 = arith.shrsi %bitcast_convert_type3A_179, %shift_right_arithmetic3A_181 : vector<16xi32>
      %and3A_183 = arith.constant 2147483647 : i32
      %and3A_184 = vector.broadcast %and3A_183 : i32 to vector<16xi32>
      %and3A_185 = arith.andi %shift_right_arithmetic3A_182, %and3A_184 : vector<16xi32>
      %xor3A_186 = arith.xori %bitcast_convert_type3A_179, %and3A_185 : vector<16xi32>
      %swap3A_187 = arith.index_cast %mul3A_174 : i32 to index
      %swap3A_188 = tpu.vector_load %arg6[%swap3A_187] {strides = array<i32>} : memref<8192xi32, #tpu.memory_space<vmem>>, vector<16xi32>,
      tpu.vector_store %arg6[%swap3A_187], %xor3A_186 {strides = array<i32>} : memref<8192xi32, #tpu.memory_space<vmem>>, vector<16xi32>,
      %mul3A_189 = arith.constant 8 : i32
      %mul3A_190 = arith.muli %scan3A_73, %mul3A_189 : i32
      %add3A_191 = arith.constant 6 : i32
      %add3A_192 = arith.addi %mul3A_190, %add3A_191 : i32
      %mul3A_193 = arith.constant 16 : i32
      %mul3A_194 = arith.muli %add3A_192, %mul3A_193 : i32
      %get3A_195 = arith.constant 0 : i32
      %get3A_196 = arith.index_cast %get3A_195 : i32 to index
      %get3A_197 = arith.index_cast %mul3A_194 : i32 to index
      %get3A_198 = tpu.vector_load %arg4[%get3A_196, %get3A_197] {strides = array<i32>} : memref<2x8192xf32, #tpu.memory_space<vmem>>, vector<16xf32>,
      %bitcast_convert_type3A_199 = tpu.bitcast %get3A_198 : vector<16xf32> -> vector<16xi32>
      %shift_right_arithmetic3A_200 = arith.constant 31 : i32
      %shift_right_arithmetic3A_201 = vector.broadcast %shift_right_arithmetic3A_200 : i32 to vector<16xi32>
      %shift_right_arithmetic3A_202 = arith.shrsi %bitcast_convert_type3A_199, %shift_right_arithmetic3A_201 : vector<16xi32>
      %and3A_203 = arith.constant 2147483647 : i32
      %and3A_204 = vector.broadcast %and3A_203 : i32 to vector<16xi32>
      %and3A_205 = arith.andi %shift_right_arithmetic3A_202, %and3A_204 : vector<16xi32>
      %xor3A_206 = arith.xori %bitcast_convert_type3A_199, %and3A_205 : vector<16xi32>
      %swap3A_207 = arith.index_cast %mul3A_194 : i32 to index
      %swap3A_208 = tpu.vector_load %arg6[%swap3A_207] {strides = array<i32>} : memref<8192xi32, #tpu.memory_space<vmem>>, vector<16xi32>,
      tpu.vector_store %arg6[%swap3A_207], %xor3A_206 {strides = array<i32>} : memref<8192xi32, #tpu.memory_space<vmem>>, vector<16xi32>,
      %mul3A_209 = arith.constant 8 : i32
      %mul3A_210 = arith.muli %scan3A_73, %mul3A_209 : i32
      %add3A_211 = arith.constant 7 : i32
      %add3A_212 = arith.addi %mul3A_210, %add3A_211 : i32
      %mul3A_213 = arith.constant 16 : i32
      %mul3A_214 = arith.muli %add3A_212, %mul3A_213 : i32
      %get3A_215 = arith.constant 0 : i32
      %get3A_216 = arith.index_cast %get3A_215 : i32 to index
      %get3A_217 = arith.index_cast %mul3A_214 : i32 to index
      %get3A_218 = tpu.vector_load %arg4[%get3A_216, %get3A_217] {strides = array<i32>} : memref<2x8192xf32, #tpu.memory_space<vmem>>, vector<16xf32>,
      %bitcast_convert_type3A_219 = tpu.bitcast %get3A_218 : vector<16xf32> -> vector<16xi32>
      %shift_right_arithmetic3A_220 = arith.constant 31 : i32
      %shift_right_arithmetic3A_221 = vector.broadcast %shift_right_arithmetic3A_220 : i32 to vector<16xi32>
      %shift_right_arithmetic3A_222 = arith.shrsi %bitcast_convert_type3A_219, %shift_right_arithmetic3A_221 : vector<16xi32>
      %and3A_223 = arith.constant 2147483647 : i32
      %and3A_224 = vector.broadcast %and3A_223 : i32 to vector<16xi32>
      %and3A_225 = arith.andi %shift_right_arithmetic3A_222, %and3A_224 : vector<16xi32>
      %xor3A_226 = arith.xori %bitcast_convert_type3A_219, %and3A_225 : vector<16xi32>
      %swap3A_227 = arith.index_cast %mul3A_214 : i32 to index
      %swap3A_228 = tpu.vector_load %arg6[%swap3A_227] {strides = array<i32>} : memref<8192xi32, #tpu.memory_space<vmem>>, vector<16xi32>,
      tpu.vector_store %arg6[%swap3A_227], %xor3A_226 {strides = array<i32>} : memref<8192xi32, #tpu.memory_space<vmem>>, vector<16xi32>,
      %scan3A_229 = arith.constant 0 : i32
      scf.yield %scan3A_229 : i32
    }
    %scan3A_8 = arith.constant 64 : i32
    %scan3A_9 = arith.constant -2147483648 : i32
    %scan3A_10 = arith.constant 0 : i32
    %scan3A_11 = arith.constant 32 : i32
    %scan3A_12 = arith.addi %scan3A_10, %scan3A_11 : i32
    %scan3A_13 = arith.constant 1 : i32
    %scan3A_14 = scf.for %scan3A_73 = %scan3A_10 to %scan3A_12 step %scan3A_13 iter_args(%scan3A_74 = %scan3A_9) -> (i32)  : i32 {
      %sub3A_75 = arith.constant 31 : i32
      %sub3A_76 = arith.subi %sub3A_75, %scan3A_73 : i32
      %shift_left3A = arith.constant 1 : i32
      %shift_left3A_77 = arith.shli %shift_left3A, %sub3A_76 : i32
      %add3A_78 = arith.addi %scan3A_74, %shift_left3A_77 : i32
      %broadcast_in_dim3A_79 = vector.broadcast %add3A_78 : i32 to vector<16xi32>
      %broadcast_in_dim3A_80 = arith.constant 0 : i32
      %broadcast_in_dim3A_81 = vector.broadcast %broadcast_in_dim3A_80 : i32 to vector<16xi32>
      %scan3A_82 = arith.constant 0 : i32
      %scan3A_83 = arith.constant 64 : i32
      %scan3A_84 = arith.addi %scan3A_82, %scan3A_83 : i32
      %scan3A_85 = arith.constant 1 : i32
      %scan3A_86 = scf.for %scan3A_93 = %scan3A_82 to %scan3A_84 step %scan3A_85 iter_args(%scan3A_94 = %broadcast_in_dim3A_81) -> (vector<16xi32>)  : i32 {
        %mul3A_95 = arith.constant 8 : i32
        %mul3A_96 = arith.muli %scan3A_93, %mul3A_95 : i32
        %add3A_97 = arith.constant 0 : i32
        %add3A_98 = arith.addi %mul3A_96, %add3A_97 : i32
        %mul3A_99 = arith.constant 16 : i32
        %mul3A_100 = arith.muli %add3A_98, %mul3A_99 : i32
        %get3A = arith.index_cast %mul3A_100 : i32 to index
        %get3A_101 = tpu.vector_load %arg6[%get3A] {strides = array<i32>} : memref<8192xi32, #tpu.memory_space<vmem>>, vector<16xi32>,
        %ge3A_102 = arith.cmpi sge, %get3A_101, %broadcast_in_dim3A_79 : vector<16xi32>
        %convert_element_type3A = arith.extui %ge3A_102 : vector<16xi1> to vector<16xi32>
        %add3A_103 = arith.addi %scan3A_94, %convert_element_type3A : vector<16xi32>
        %mul3A_104 = arith.constant 8 : i32
        %mul3A_105 = arith.muli %scan3A_93, %mul3A_104 : i32
        %add3A_106 = arith.constant 1 : i32
        %add3A_107 = arith.addi %mul3A_105, %add3A_106 : i32
        %mul3A_108 = arith.constant 16 : i32
        %mul3A_109 = arith.muli %add3A_107, %mul3A_108 : i32
        %get3A_110 = arith.index_cast %mul3A_109 : i32 to index
        %get3A_111 = tpu.vector_load %arg6[%get3A_110] {strides = array<i32>} : memref<8192xi32, #tpu.memory_space<vmem>>, vector<16xi32>,
        %ge3A_112 = arith.cmpi sge, %get3A_111, %broadcast_in_dim3A_79 : vector<16xi32>
        %convert_element_type3A_113 = arith.extui %ge3A_112 : vector<16xi1> to vector<16xi32>
        %add3A_114 = arith.addi %add3A_103, %convert_element_type3A_113 : vector<16xi32>
        %mul3A_115 = arith.constant 8 : i32
        %mul3A_116 = arith.muli %scan3A_93, %mul3A_115 : i32
        %add3A_117 = arith.constant 2 : i32
        %add3A_118 = arith.addi %mul3A_116, %add3A_117 : i32
        %mul3A_119 = arith.constant 16 : i32
        %mul3A_120 = arith.muli %add3A_118, %mul3A_119 : i32
        %get3A_121 = arith.index_cast %mul3A_120 : i32 to index
        %get3A_122 = tpu.vector_load %arg6[%get3A_121] {strides = array<i32>} : memref<8192xi32, #tpu.memory_space<vmem>>, vector<16xi32>,
        %ge3A_123 = arith.cmpi sge, %get3A_122, %broadcast_in_dim3A_79 : vector<16xi32>
        %convert_element_type3A_124 = arith.extui %ge3A_123 : vector<16xi1> to vector<16xi32>
        %add3A_125 = arith.addi %add3A_114, %convert_element_type3A_124 : vector<16xi32>
        %mul3A_126 = arith.constant 8 : i32
        %mul3A_127 = arith.muli %scan3A_93, %mul3A_126 : i32
        %add3A_128 = arith.constant 3 : i32
        %add3A_129 = arith.addi %mul3A_127, %add3A_128 : i32
        %mul3A_130 = arith.constant 16 : i32
        %mul3A_131 = arith.muli %add3A_129, %mul3A_130 : i32
        %get3A_132 = arith.index_cast %mul3A_131 : i32 to index
        %get3A_133 = tpu.vector_load %arg6[%get3A_132] {strides = array<i32>} : memref<8192xi32, #tpu.memory_space<vmem>>, vector<16xi32>,
        %ge3A_134 = arith.cmpi sge, %get3A_133, %broadcast_in_dim3A_79 : vector<16xi32>
        %convert_element_type3A_135 = arith.extui %ge3A_134 : vector<16xi1> to vector<16xi32>
        %add3A_136 = arith.addi %add3A_125, %convert_element_type3A_135 : vector<16xi32>
        %mul3A_137 = arith.constant 8 : i32
        %mul3A_138 = arith.muli %scan3A_93, %mul3A_137 : i32
        %add3A_139 = arith.constant 4 : i32
        %add3A_140 = arith.addi %mul3A_138, %add3A_139 : i32
        %mul3A_141 = arith.constant 16 : i32
        %mul3A_142 = arith.muli %add3A_140, %mul3A_141 : i32
        %get3A_143 = arith.index_cast %mul3A_142 : i32 to index
        %get3A_144 = tpu.vector_load %arg6[%get3A_143] {strides = array<i32>} : memref<8192xi32, #tpu.memory_space<vmem>>, vector<16xi32>,
        %ge3A_145 = arith.cmpi sge, %get3A_144, %broadcast_in_dim3A_79 : vector<16xi32>
        %convert_element_type3A_146 = arith.extui %ge3A_145 : vector<16xi1> to vector<16xi32>
        %add3A_147 = arith.addi %add3A_136, %convert_element_type3A_146 : vector<16xi32>
        %mul3A_148 = arith.constant 8 : i32
        %mul3A_149 = arith.muli %scan3A_93, %mul3A_148 : i32
        %add3A_150 = arith.constant 5 : i32
        %add3A_151 = arith.addi %mul3A_149, %add3A_150 : i32
        %mul3A_152 = arith.constant 16 : i32
        %mul3A_153 = arith.muli %add3A_151, %mul3A_152 : i32
        %get3A_154 = arith.index_cast %mul3A_153 : i32 to index
        %get3A_155 = tpu.vector_load %arg6[%get3A_154] {strides = array<i32>} : memref<8192xi32, #tpu.memory_space<vmem>>, vector<16xi32>,
        %ge3A_156 = arith.cmpi sge, %get3A_155, %broadcast_in_dim3A_79 : vector<16xi32>
        %convert_element_type3A_157 = arith.extui %ge3A_156 : vector<16xi1> to vector<16xi32>
        %add3A_158 = arith.addi %add3A_147, %convert_element_type3A_157 : vector<16xi32>
        %mul3A_159 = arith.constant 8 : i32
        %mul3A_160 = arith.muli %scan3A_93, %mul3A_159 : i32
        %add3A_161 = arith.constant 6 : i32
        %add3A_162 = arith.addi %mul3A_160, %add3A_161 : i32
        %mul3A_163 = arith.constant 16 : i32
        %mul3A_164 = arith.muli %add3A_162, %mul3A_163 : i32
        %get3A_165 = arith.index_cast %mul3A_164 : i32 to index
        %get3A_166 = tpu.vector_load %arg6[%get3A_165] {strides = array<i32>} : memref<8192xi32, #tpu.memory_space<vmem>>, vector<16xi32>,
        %ge3A_167 = arith.cmpi sge, %get3A_166, %broadcast_in_dim3A_79 : vector<16xi32>
        %convert_element_type3A_168 = arith.extui %ge3A_167 : vector<16xi1> to vector<16xi32>
        %add3A_169 = arith.addi %add3A_158, %convert_element_type3A_168 : vector<16xi32>
        %mul3A_170 = arith.constant 8 : i32
        %mul3A_171 = arith.muli %scan3A_93, %mul3A_170 : i32
        %add3A_172 = arith.constant 7 : i32
        %add3A_173 = arith.addi %mul3A_171, %add3A_172 : i32
        %mul3A_174 = arith.constant 16 : i32
        %mul3A_175 = arith.muli %add3A_173, %mul3A_174 : i32
        %get3A_176 = arith.index_cast %mul3A_175 : i32 to index
        %get3A_177 = tpu.vector_load %arg6[%get3A_176] {strides = array<i32>} : memref<8192xi32, #tpu.memory_space<vmem>>, vector<16xi32>,
        %ge3A_178 = arith.cmpi sge, %get3A_177, %broadcast_in_dim3A_79 : vector<16xi32>
        %convert_element_type3A_179 = arith.extui %ge3A_178 : vector<16xi1> to vector<16xi32>
        %add3A_180 = arith.addi %add3A_169, %convert_element_type3A_179 : vector<16xi32>
        scf.yield %add3A_180 : vector<16xi32>
      }
      %scan3A_87 = arith.constant 64 : i32
      %reduce_sum3A_88 = arith.constant true
      %reduce_sum3A_89 = vector.broadcast %reduce_sum3A_88 : i1 to vector<16xi1>
      %reduce_sum3A_90 = tpu.scan <sum>, %scan3A_86 masked %reduce_sum3A_89 : vector<16xi32>, vector<16xi1> -> vector<16xi32>
      %reduce_sum3A_91 = vector.extract %reduce_sum3A_90[15] : i32 from vector<16xi32>
      %ge3A = arith.constant 256 : i32
      %ge3A_92 = arith.cmpi sge, %reduce_sum3A_91, %ge3A : i32
      %select_n3A = arith.select %ge3A_92, %add3A_78, %scan3A_74 : i32
      scf.yield %select_n3A : i32
    }
    %scan3A_15 = arith.constant 32 : i32
    %broadcast_in_dim3A = vector.broadcast %scan3A_14 : i32 to vector<16xi32>
    %broadcast_in_dim3A_16 = arith.constant 0 : i32
    %broadcast_in_dim3A_17 = vector.broadcast %broadcast_in_dim3A_16 : i32 to vector<16xi32>
    %scan3A_18 = arith.constant 0 : i32
    %scan3A_19 = arith.constant 64 : i32
    %scan3A_20 = arith.addi %scan3A_18, %scan3A_19 : i32
    %scan3A_21 = arith.constant 1 : i32
    %scan3A_22 = scf.for %scan3A_73 = %scan3A_18 to %scan3A_20 step %scan3A_21 iter_args(%scan3A_74 = %broadcast_in_dim3A_17) -> (vector<16xi32>)  : i32 {
      %mul3A_75 = arith.constant 8 : i32
      %mul3A_76 = arith.muli %scan3A_73, %mul3A_75 : i32
      %add3A_77 = arith.constant 0 : i32
      %add3A_78 = arith.addi %mul3A_76, %add3A_77 : i32
      %mul3A_79 = arith.constant 16 : i32
      %mul3A_80 = arith.muli %add3A_78, %mul3A_79 : i32
      %get3A = arith.index_cast %mul3A_80 : i32 to index
      %get3A_81 = tpu.vector_load %arg6[%get3A] {strides = array<i32>} : memref<8192xi32, #tpu.memory_space<vmem>>, vector<16xi32>,
      %gt3A = arith.cmpi sgt, %get3A_81, %broadcast_in_dim3A : vector<16xi32>
      %convert_element_type3A = arith.extui %gt3A : vector<16xi1> to vector<16xi32>
      %add3A_82 = arith.addi %scan3A_74, %convert_element_type3A : vector<16xi32>
      %mul3A_83 = arith.constant 8 : i32
      %mul3A_84 = arith.muli %scan3A_73, %mul3A_83 : i32
      %add3A_85 = arith.constant 1 : i32
      %add3A_86 = arith.addi %mul3A_84, %add3A_85 : i32
      %mul3A_87 = arith.constant 16 : i32
      %mul3A_88 = arith.muli %add3A_86, %mul3A_87 : i32
      %get3A_89 = arith.index_cast %mul3A_88 : i32 to index
      %get3A_90 = tpu.vector_load %arg6[%get3A_89] {strides = array<i32>} : memref<8192xi32, #tpu.memory_space<vmem>>, vector<16xi32>,
      %gt3A_91 = arith.cmpi sgt, %get3A_90, %broadcast_in_dim3A : vector<16xi32>
      %convert_element_type3A_92 = arith.extui %gt3A_91 : vector<16xi1> to vector<16xi32>
      %add3A_93 = arith.addi %add3A_82, %convert_element_type3A_92 : vector<16xi32>
      %mul3A_94 = arith.constant 8 : i32
      %mul3A_95 = arith.muli %scan3A_73, %mul3A_94 : i32
      %add3A_96 = arith.constant 2 : i32
      %add3A_97 = arith.addi %mul3A_95, %add3A_96 : i32
      %mul3A_98 = arith.constant 16 : i32
      %mul3A_99 = arith.muli %add3A_97, %mul3A_98 : i32
      %get3A_100 = arith.index_cast %mul3A_99 : i32 to index
      %get3A_101 = tpu.vector_load %arg6[%get3A_100] {strides = array<i32>} : memref<8192xi32, #tpu.memory_space<vmem>>, vector<16xi32>,
      %gt3A_102 = arith.cmpi sgt, %get3A_101, %broadcast_in_dim3A : vector<16xi32>
      %convert_element_type3A_103 = arith.extui %gt3A_102 : vector<16xi1> to vector<16xi32>
      %add3A_104 = arith.addi %add3A_93, %convert_element_type3A_103 : vector<16xi32>
      %mul3A_105 = arith.constant 8 : i32
      %mul3A_106 = arith.muli %scan3A_73, %mul3A_105 : i32
      %add3A_107 = arith.constant 3 : i32
      %add3A_108 = arith.addi %mul3A_106, %add3A_107 : i32
      %mul3A_109 = arith.constant 16 : i32
      %mul3A_110 = arith.muli %add3A_108, %mul3A_109 : i32
      %get3A_111 = arith.index_cast %mul3A_110 : i32 to index
      %get3A_112 = tpu.vector_load %arg6[%get3A_111] {strides = array<i32>} : memref<8192xi32, #tpu.memory_space<vmem>>, vector<16xi32>,
      %gt3A_113 = arith.cmpi sgt, %get3A_112, %broadcast_in_dim3A : vector<16xi32>
      %convert_element_type3A_114 = arith.extui %gt3A_113 : vector<16xi1> to vector<16xi32>
      %add3A_115 = arith.addi %add3A_104, %convert_element_type3A_114 : vector<16xi32>
      %mul3A_116 = arith.constant 8 : i32
      %mul3A_117 = arith.muli %scan3A_73, %mul3A_116 : i32
      %add3A_118 = arith.constant 4 : i32
      %add3A_119 = arith.addi %mul3A_117, %add3A_118 : i32
      %mul3A_120 = arith.constant 16 : i32
      %mul3A_121 = arith.muli %add3A_119, %mul3A_120 : i32
      %get3A_122 = arith.index_cast %mul3A_121 : i32 to index
      %get3A_123 = tpu.vector_load %arg6[%get3A_122] {strides = array<i32>} : memref<8192xi32, #tpu.memory_space<vmem>>, vector<16xi32>,
      %gt3A_124 = arith.cmpi sgt, %get3A_123, %broadcast_in_dim3A : vector<16xi32>
      %convert_element_type3A_125 = arith.extui %gt3A_124 : vector<16xi1> to vector<16xi32>
      %add3A_126 = arith.addi %add3A_115, %convert_element_type3A_125 : vector<16xi32>
      %mul3A_127 = arith.constant 8 : i32
      %mul3A_128 = arith.muli %scan3A_73, %mul3A_127 : i32
      %add3A_129 = arith.constant 5 : i32
      %add3A_130 = arith.addi %mul3A_128, %add3A_129 : i32
      %mul3A_131 = arith.constant 16 : i32
      %mul3A_132 = arith.muli %add3A_130, %mul3A_131 : i32
      %get3A_133 = arith.index_cast %mul3A_132 : i32 to index
      %get3A_134 = tpu.vector_load %arg6[%get3A_133] {strides = array<i32>} : memref<8192xi32, #tpu.memory_space<vmem>>, vector<16xi32>,
      %gt3A_135 = arith.cmpi sgt, %get3A_134, %broadcast_in_dim3A : vector<16xi32>
      %convert_element_type3A_136 = arith.extui %gt3A_135 : vector<16xi1> to vector<16xi32>
      %add3A_137 = arith.addi %add3A_126, %convert_element_type3A_136 : vector<16xi32>
      %mul3A_138 = arith.constant 8 : i32
      %mul3A_139 = arith.muli %scan3A_73, %mul3A_138 : i32
      %add3A_140 = arith.constant 6 : i32
      %add3A_141 = arith.addi %mul3A_139, %add3A_140 : i32
      %mul3A_142 = arith.constant 16 : i32
      %mul3A_143 = arith.muli %add3A_141, %mul3A_142 : i32
      %get3A_144 = arith.index_cast %mul3A_143 : i32 to index
      %get3A_145 = tpu.vector_load %arg6[%get3A_144] {strides = array<i32>} : memref<8192xi32, #tpu.memory_space<vmem>>, vector<16xi32>,
      %gt3A_146 = arith.cmpi sgt, %get3A_145, %broadcast_in_dim3A : vector<16xi32>
      %convert_element_type3A_147 = arith.extui %gt3A_146 : vector<16xi1> to vector<16xi32>
      %add3A_148 = arith.addi %add3A_137, %convert_element_type3A_147 : vector<16xi32>
      %mul3A_149 = arith.constant 8 : i32
      %mul3A_150 = arith.muli %scan3A_73, %mul3A_149 : i32
      %add3A_151 = arith.constant 7 : i32
      %add3A_152 = arith.addi %mul3A_150, %add3A_151 : i32
      %mul3A_153 = arith.constant 16 : i32
      %mul3A_154 = arith.muli %add3A_152, %mul3A_153 : i32
      %get3A_155 = arith.index_cast %mul3A_154 : i32 to index
      %get3A_156 = tpu.vector_load %arg6[%get3A_155] {strides = array<i32>} : memref<8192xi32, #tpu.memory_space<vmem>>, vector<16xi32>,
      %gt3A_157 = arith.cmpi sgt, %get3A_156, %broadcast_in_dim3A : vector<16xi32>
      %convert_element_type3A_158 = arith.extui %gt3A_157 : vector<16xi1> to vector<16xi32>
      %add3A_159 = arith.addi %add3A_148, %convert_element_type3A_158 : vector<16xi32>
      scf.yield %add3A_159 : vector<16xi32>
    }
    %scan3A_23 = arith.constant 64 : i32
    %reduce_sum3A = arith.constant true
    %reduce_sum3A_24 = vector.broadcast %reduce_sum3A : i1 to vector<16xi1>
    %reduce_sum3A_25 = tpu.scan <sum>, %scan3A_22 masked %reduce_sum3A_24 : vector<16xi32>, vector<16xi1> -> vector<16xi32>
    %reduce_sum3A_26 = vector.extract %reduce_sum3A_25[15] : i32 from vector<16xi32>
    %sub3A = arith.constant 256 : i32
    %sub3A_27 = arith.subi %sub3A, %reduce_sum3A_26 : i32
    %broadcast_in_dim3A_28 = vector.broadcast %scan3A_14 : i32 to vector<16xi32>
    %scan3A_29 = arith.constant 0 : i32
    %scan3A_30 = arith.constant 0 : i32
    %scan3A_31 = arith.constant 512 : i32
    %scan3A_32 = arith.addi %scan3A_30, %scan3A_31 : i32
    %scan3A_33 = arith.constant 1 : i32
    %scan3A_34 = scf.for %scan3A_73 = %scan3A_30 to %scan3A_32 step %scan3A_33 iter_args(%scan3A_74 = %scan3A_29) -> (i32)  : i32 {
      %mul3A_75 = arith.constant 16 : i32
      %mul3A_76 = arith.muli %scan3A_73, %mul3A_75 : i32
      %get3A = arith.index_cast %mul3A_76 : i32 to index
      %get3A_77 = tpu.vector_load %arg6[%get3A] {strides = array<i32>} : memref<8192xi32, #tpu.memory_space<vmem>>, vector<16xi32>,
      %gt3A = arith.cmpi sgt, %get3A_77, %broadcast_in_dim3A_28 : vector<16xi32>
      %eq3A = arith.cmpi eq, %get3A_77, %broadcast_in_dim3A_28 : vector<16xi32>
      %convert_element_type3A = arith.extui %eq3A : vector<16xi1> to vector<16xi32>
      %broadcast_in_dim3A_78 = arith.constant true
      %broadcast_in_dim3A_79 = vector.broadcast %broadcast_in_dim3A_78 : i1 to vector<16xi1>
      %masked_cumsum3A = tpu.scan <sum>, %convert_element_type3A masked %broadcast_in_dim3A_79 : vector<16xi32>, vector<16xi1> -> vector<16xi32>
      %sub3A_80 = arith.subi %masked_cumsum3A, %convert_element_type3A : vector<16xi32>
      %add3A_81 = vector.broadcast %scan3A_74 : i32 to vector<16xi32>
      %add3A_82 = arith.addi %sub3A_80, %add3A_81 : vector<16xi32>
      %lt3A = vector.broadcast %sub3A_27 : i32 to vector<16xi32>
      %lt3A_83 = arith.cmpi slt, %add3A_82, %lt3A : vector<16xi32>
      %and3A = arith.andi %eq3A, %lt3A_83 : vector<16xi1>
      %or3A = arith.ori %gt3A, %and3A : vector<16xi1>
      %jit3A = arith.constant 1.000000e+00 : f32
      %jit3A_84 = arith.constant 0.000000e+00 : f32
      %broadcast_in_dim3A_85 = vector.broadcast %jit3A : f32 to vector<16xf32>
      %broadcast_in_dim3A_86 = vector.broadcast %jit3A_84 : f32 to vector<16xf32>
      %select_n3A = arith.select %or3A, %broadcast_in_dim3A_85, %broadcast_in_dim3A_86 : vector<16xi1>, vector<16xf32>
      %mul3A_87 = arith.constant 16 : i32
      %mul3A_88 = arith.muli %scan3A_73, %mul3A_87 : i32
      %swap3A = arith.constant 0 : i32
      %swap3A_89 = arith.index_cast %swap3A : i32 to index
      %swap3A_90 = arith.index_cast %mul3A_88 : i32 to index
      %swap3A_91 = tpu.vector_load %arg5[%swap3A_89, %swap3A_90] {strides = array<i32>} : memref<2x8192xf32, #tpu.memory_space<vmem>>, vector<16xf32>,
      tpu.vector_store %arg5[%swap3A_89, %swap3A_90], %select_n3A {strides = array<i32>} : memref<2x8192xf32, #tpu.memory_space<vmem>>, vector<16xf32>,
      %reduce_sum3A_92 = arith.constant true
      %reduce_sum3A_93 = vector.broadcast %reduce_sum3A_92 : i1 to vector<16xi1>
      %reduce_sum3A_94 = tpu.scan <sum>, %convert_element_type3A masked %reduce_sum3A_93 : vector<16xi32>, vector<16xi1> -> vector<16xi32>
      %reduce_sum3A_95 = vector.extract %reduce_sum3A_94[15] : i32 from vector<16xi32>
      %add3A_96 = arith.addi %scan3A_74, %reduce_sum3A_95 : i32
      scf.yield %add3A_96 : i32
    }
    %scan3A_35 = arith.constant 512 : i32
    %scan3A_36 = arith.constant 0 : i32
    %scan3A_37 = arith.constant 0 : i32
    %scan3A_38 = arith.constant 64 : i32
    %scan3A_39 = arith.addi %scan3A_37, %scan3A_38 : i32
    %scan3A_40 = arith.constant 1 : i32
    %scan3A_41 = scf.for %scan3A_73 = %scan3A_37 to %scan3A_39 step %scan3A_40 iter_args(%scan3A_74 = %scan3A_36) -> (i32)  : i32 {
      %mul3A_75 = arith.constant 8 : i32
      %mul3A_76 = arith.muli %scan3A_73, %mul3A_75 : i32
      %add3A_77 = arith.constant 0 : i32
      %add3A_78 = arith.addi %mul3A_76, %add3A_77 : i32
      %mul3A_79 = arith.constant 16 : i32
      %mul3A_80 = arith.muli %add3A_78, %mul3A_79 : i32
      %get3A = arith.constant 1 : i32
      %get3A_81 = arith.index_cast %get3A : i32 to index
      %get3A_82 = arith.index_cast %mul3A_80 : i32 to index
      %get3A_83 = tpu.vector_load %arg4[%get3A_81, %get3A_82] {strides = array<i32>} : memref<2x8192xf32, #tpu.memory_space<vmem>>, vector<16xf32>,
      %bitcast_convert_type3A = tpu.bitcast %get3A_83 : vector<16xf32> -> vector<16xi32>
      %shift_right_arithmetic3A = arith.constant 31 : i32
      %shift_right_arithmetic3A_84 = vector.broadcast %shift_right_arithmetic3A : i32 to vector<16xi32>
      %shift_right_arithmetic3A_85 = arith.shrsi %bitcast_convert_type3A, %shift_right_arithmetic3A_84 : vector<16xi32>
      %and3A = arith.constant 2147483647 : i32
      %and3A_86 = vector.broadcast %and3A : i32 to vector<16xi32>
      %and3A_87 = arith.andi %shift_right_arithmetic3A_85, %and3A_86 : vector<16xi32>
      %xor3A = arith.xori %bitcast_convert_type3A, %and3A_87 : vector<16xi32>
      %swap3A = arith.index_cast %mul3A_80 : i32 to index
      %swap3A_88 = tpu.vector_load %arg6[%swap3A] {strides = array<i32>} : memref<8192xi32, #tpu.memory_space<vmem>>, vector<16xi32>,
      tpu.vector_store %arg6[%swap3A], %xor3A {strides = array<i32>} : memref<8192xi32, #tpu.memory_space<vmem>>, vector<16xi32>,
      %mul3A_89 = arith.constant 8 : i32
      %mul3A_90 = arith.muli %scan3A_73, %mul3A_89 : i32
      %add3A_91 = arith.constant 1 : i32
      %add3A_92 = arith.addi %mul3A_90, %add3A_91 : i32
      %mul3A_93 = arith.constant 16 : i32
      %mul3A_94 = arith.muli %add3A_92, %mul3A_93 : i32
      %get3A_95 = arith.constant 1 : i32
      %get3A_96 = arith.index_cast %get3A_95 : i32 to index
      %get3A_97 = arith.index_cast %mul3A_94 : i32 to index
      %get3A_98 = tpu.vector_load %arg4[%get3A_96, %get3A_97] {strides = array<i32>} : memref<2x8192xf32, #tpu.memory_space<vmem>>, vector<16xf32>,
      %bitcast_convert_type3A_99 = tpu.bitcast %get3A_98 : vector<16xf32> -> vector<16xi32>
      %shift_right_arithmetic3A_100 = arith.constant 31 : i32
      %shift_right_arithmetic3A_101 = vector.broadcast %shift_right_arithmetic3A_100 : i32 to vector<16xi32>
      %shift_right_arithmetic3A_102 = arith.shrsi %bitcast_convert_type3A_99, %shift_right_arithmetic3A_101 : vector<16xi32>
      %and3A_103 = arith.constant 2147483647 : i32
      %and3A_104 = vector.broadcast %and3A_103 : i32 to vector<16xi32>
      %and3A_105 = arith.andi %shift_right_arithmetic3A_102, %and3A_104 : vector<16xi32>
      %xor3A_106 = arith.xori %bitcast_convert_type3A_99, %and3A_105 : vector<16xi32>
      %swap3A_107 = arith.index_cast %mul3A_94 : i32 to index
      %swap3A_108 = tpu.vector_load %arg6[%swap3A_107] {strides = array<i32>} : memref<8192xi32, #tpu.memory_space<vmem>>, vector<16xi32>,
      tpu.vector_store %arg6[%swap3A_107], %xor3A_106 {strides = array<i32>} : memref<8192xi32, #tpu.memory_space<vmem>>, vector<16xi32>,
      %mul3A_109 = arith.constant 8 : i32
      %mul3A_110 = arith.muli %scan3A_73, %mul3A_109 : i32
      %add3A_111 = arith.constant 2 : i32
      %add3A_112 = arith.addi %mul3A_110, %add3A_111 : i32
      %mul3A_113 = arith.constant 16 : i32
      %mul3A_114 = arith.muli %add3A_112, %mul3A_113 : i32
      %get3A_115 = arith.constant 1 : i32
      %get3A_116 = arith.index_cast %get3A_115 : i32 to index
      %get3A_117 = arith.index_cast %mul3A_114 : i32 to index
      %get3A_118 = tpu.vector_load %arg4[%get3A_116, %get3A_117] {strides = array<i32>} : memref<2x8192xf32, #tpu.memory_space<vmem>>, vector<16xf32>,
      %bitcast_convert_type3A_119 = tpu.bitcast %get3A_118 : vector<16xf32> -> vector<16xi32>
      %shift_right_arithmetic3A_120 = arith.constant 31 : i32
      %shift_right_arithmetic3A_121 = vector.broadcast %shift_right_arithmetic3A_120 : i32 to vector<16xi32>
      %shift_right_arithmetic3A_122 = arith.shrsi %bitcast_convert_type3A_119, %shift_right_arithmetic3A_121 : vector<16xi32>
      %and3A_123 = arith.constant 2147483647 : i32
      %and3A_124 = vector.broadcast %and3A_123 : i32 to vector<16xi32>
      %and3A_125 = arith.andi %shift_right_arithmetic3A_122, %and3A_124 : vector<16xi32>
      %xor3A_126 = arith.xori %bitcast_convert_type3A_119, %and3A_125 : vector<16xi32>
      %swap3A_127 = arith.index_cast %mul3A_114 : i32 to index
      %swap3A_128 = tpu.vector_load %arg6[%swap3A_127] {strides = array<i32>} : memref<8192xi32, #tpu.memory_space<vmem>>, vector<16xi32>,
      tpu.vector_store %arg6[%swap3A_127], %xor3A_126 {strides = array<i32>} : memref<8192xi32, #tpu.memory_space<vmem>>, vector<16xi32>,
      %mul3A_129 = arith.constant 8 : i32
      %mul3A_130 = arith.muli %scan3A_73, %mul3A_129 : i32
      %add3A_131 = arith.constant 3 : i32
      %add3A_132 = arith.addi %mul3A_130, %add3A_131 : i32
      %mul3A_133 = arith.constant 16 : i32
      %mul3A_134 = arith.muli %add3A_132, %mul3A_133 : i32
      %get3A_135 = arith.constant 1 : i32
      %get3A_136 = arith.index_cast %get3A_135 : i32 to index
      %get3A_137 = arith.index_cast %mul3A_134 : i32 to index
      %get3A_138 = tpu.vector_load %arg4[%get3A_136, %get3A_137] {strides = array<i32>} : memref<2x8192xf32, #tpu.memory_space<vmem>>, vector<16xf32>,
      %bitcast_convert_type3A_139 = tpu.bitcast %get3A_138 : vector<16xf32> -> vector<16xi32>
      %shift_right_arithmetic3A_140 = arith.constant 31 : i32
      %shift_right_arithmetic3A_141 = vector.broadcast %shift_right_arithmetic3A_140 : i32 to vector<16xi32>
      %shift_right_arithmetic3A_142 = arith.shrsi %bitcast_convert_type3A_139, %shift_right_arithmetic3A_141 : vector<16xi32>
      %and3A_143 = arith.constant 2147483647 : i32
      %and3A_144 = vector.broadcast %and3A_143 : i32 to vector<16xi32>
      %and3A_145 = arith.andi %shift_right_arithmetic3A_142, %and3A_144 : vector<16xi32>
      %xor3A_146 = arith.xori %bitcast_convert_type3A_139, %and3A_145 : vector<16xi32>
      %swap3A_147 = arith.index_cast %mul3A_134 : i32 to index
      %swap3A_148 = tpu.vector_load %arg6[%swap3A_147] {strides = array<i32>} : memref<8192xi32, #tpu.memory_space<vmem>>, vector<16xi32>,
      tpu.vector_store %arg6[%swap3A_147], %xor3A_146 {strides = array<i32>} : memref<8192xi32, #tpu.memory_space<vmem>>, vector<16xi32>,
      %mul3A_149 = arith.constant 8 : i32
      %mul3A_150 = arith.muli %scan3A_73, %mul3A_149 : i32
      %add3A_151 = arith.constant 4 : i32
      %add3A_152 = arith.addi %mul3A_150, %add3A_151 : i32
      %mul3A_153 = arith.constant 16 : i32
      %mul3A_154 = arith.muli %add3A_152, %mul3A_153 : i32
      %get3A_155 = arith.constant 1 : i32
      %get3A_156 = arith.index_cast %get3A_155 : i32 to index
      %get3A_157 = arith.index_cast %mul3A_154 : i32 to index
      %get3A_158 = tpu.vector_load %arg4[%get3A_156, %get3A_157] {strides = array<i32>} : memref<2x8192xf32, #tpu.memory_space<vmem>>, vector<16xf32>,
      %bitcast_convert_type3A_159 = tpu.bitcast %get3A_158 : vector<16xf32> -> vector<16xi32>
      %shift_right_arithmetic3A_160 = arith.constant 31 : i32
      %shift_right_arithmetic3A_161 = vector.broadcast %shift_right_arithmetic3A_160 : i32 to vector<16xi32>
      %shift_right_arithmetic3A_162 = arith.shrsi %bitcast_convert_type3A_159, %shift_right_arithmetic3A_161 : vector<16xi32>
      %and3A_163 = arith.constant 2147483647 : i32
      %and3A_164 = vector.broadcast %and3A_163 : i32 to vector<16xi32>
      %and3A_165 = arith.andi %shift_right_arithmetic3A_162, %and3A_164 : vector<16xi32>
      %xor3A_166 = arith.xori %bitcast_convert_type3A_159, %and3A_165 : vector<16xi32>
      %swap3A_167 = arith.index_cast %mul3A_154 : i32 to index
      %swap3A_168 = tpu.vector_load %arg6[%swap3A_167] {strides = array<i32>} : memref<8192xi32, #tpu.memory_space<vmem>>, vector<16xi32>,
      tpu.vector_store %arg6[%swap3A_167], %xor3A_166 {strides = array<i32>} : memref<8192xi32, #tpu.memory_space<vmem>>, vector<16xi32>,
      %mul3A_169 = arith.constant 8 : i32
      %mul3A_170 = arith.muli %scan3A_73, %mul3A_169 : i32
      %add3A_171 = arith.constant 5 : i32
      %add3A_172 = arith.addi %mul3A_170, %add3A_171 : i32
      %mul3A_173 = arith.constant 16 : i32
      %mul3A_174 = arith.muli %add3A_172, %mul3A_173 : i32
      %get3A_175 = arith.constant 1 : i32
      %get3A_176 = arith.index_cast %get3A_175 : i32 to index
      %get3A_177 = arith.index_cast %mul3A_174 : i32 to index
      %get3A_178 = tpu.vector_load %arg4[%get3A_176, %get3A_177] {strides = array<i32>} : memref<2x8192xf32, #tpu.memory_space<vmem>>, vector<16xf32>,
      %bitcast_convert_type3A_179 = tpu.bitcast %get3A_178 : vector<16xf32> -> vector<16xi32>
      %shift_right_arithmetic3A_180 = arith.constant 31 : i32
      %shift_right_arithmetic3A_181 = vector.broadcast %shift_right_arithmetic3A_180 : i32 to vector<16xi32>
      %shift_right_arithmetic3A_182 = arith.shrsi %bitcast_convert_type3A_179, %shift_right_arithmetic3A_181 : vector<16xi32>
      %and3A_183 = arith.constant 2147483647 : i32
      %and3A_184 = vector.broadcast %and3A_183 : i32 to vector<16xi32>
      %and3A_185 = arith.andi %shift_right_arithmetic3A_182, %and3A_184 : vector<16xi32>
      %xor3A_186 = arith.xori %bitcast_convert_type3A_179, %and3A_185 : vector<16xi32>
      %swap3A_187 = arith.index_cast %mul3A_174 : i32 to index
      %swap3A_188 = tpu.vector_load %arg6[%swap3A_187] {strides = array<i32>} : memref<8192xi32, #tpu.memory_space<vmem>>, vector<16xi32>,
      tpu.vector_store %arg6[%swap3A_187], %xor3A_186 {strides = array<i32>} : memref<8192xi32, #tpu.memory_space<vmem>>, vector<16xi32>,
      %mul3A_189 = arith.constant 8 : i32
      %mul3A_190 = arith.muli %scan3A_73, %mul3A_189 : i32
      %add3A_191 = arith.constant 6 : i32
      %add3A_192 = arith.addi %mul3A_190, %add3A_191 : i32
      %mul3A_193 = arith.constant 16 : i32
      %mul3A_194 = arith.muli %add3A_192, %mul3A_193 : i32
      %get3A_195 = arith.constant 1 : i32
      %get3A_196 = arith.index_cast %get3A_195 : i32 to index
      %get3A_197 = arith.index_cast %mul3A_194 : i32 to index
      %get3A_198 = tpu.vector_load %arg4[%get3A_196, %get3A_197] {strides = array<i32>} : memref<2x8192xf32, #tpu.memory_space<vmem>>, vector<16xf32>,
      %bitcast_convert_type3A_199 = tpu.bitcast %get3A_198 : vector<16xf32> -> vector<16xi32>
      %shift_right_arithmetic3A_200 = arith.constant 31 : i32
      %shift_right_arithmetic3A_201 = vector.broadcast %shift_right_arithmetic3A_200 : i32 to vector<16xi32>
      %shift_right_arithmetic3A_202 = arith.shrsi %bitcast_convert_type3A_199, %shift_right_arithmetic3A_201 : vector<16xi32>
      %and3A_203 = arith.constant 2147483647 : i32
      %and3A_204 = vector.broadcast %and3A_203 : i32 to vector<16xi32>
      %and3A_205 = arith.andi %shift_right_arithmetic3A_202, %and3A_204 : vector<16xi32>
      %xor3A_206 = arith.xori %bitcast_convert_type3A_199, %and3A_205 : vector<16xi32>
      %swap3A_207 = arith.index_cast %mul3A_194 : i32 to index
      %swap3A_208 = tpu.vector_load %arg6[%swap3A_207] {strides = array<i32>} : memref<8192xi32, #tpu.memory_space<vmem>>, vector<16xi32>,
      tpu.vector_store %arg6[%swap3A_207], %xor3A_206 {strides = array<i32>} : memref<8192xi32, #tpu.memory_space<vmem>>, vector<16xi32>,
      %mul3A_209 = arith.constant 8 : i32
      %mul3A_210 = arith.muli %scan3A_73, %mul3A_209 : i32
      %add3A_211 = arith.constant 7 : i32
      %add3A_212 = arith.addi %mul3A_210, %add3A_211 : i32
      %mul3A_213 = arith.constant 16 : i32
      %mul3A_214 = arith.muli %add3A_212, %mul3A_213 : i32
      %get3A_215 = arith.constant 1 : i32
      %get3A_216 = arith.index_cast %get3A_215 : i32 to index
      %get3A_217 = arith.index_cast %mul3A_214 : i32 to index
      %get3A_218 = tpu.vector_load %arg4[%get3A_216, %get3A_217] {strides = array<i32>} : memref<2x8192xf32, #tpu.memory_space<vmem>>, vector<16xf32>,
      %bitcast_convert_type3A_219 = tpu.bitcast %get3A_218 : vector<16xf32> -> vector<16xi32>
      %shift_right_arithmetic3A_220 = arith.constant 31 : i32
      %shift_right_arithmetic3A_221 = vector.broadcast %shift_right_arithmetic3A_220 : i32 to vector<16xi32>
      %shift_right_arithmetic3A_222 = arith.shrsi %bitcast_convert_type3A_219, %shift_right_arithmetic3A_221 : vector<16xi32>
      %and3A_223 = arith.constant 2147483647 : i32
      %and3A_224 = vector.broadcast %and3A_223 : i32 to vector<16xi32>
      %and3A_225 = arith.andi %shift_right_arithmetic3A_222, %and3A_224 : vector<16xi32>
      %xor3A_226 = arith.xori %bitcast_convert_type3A_219, %and3A_225 : vector<16xi32>
      %swap3A_227 = arith.index_cast %mul3A_214 : i32 to index
      %swap3A_228 = tpu.vector_load %arg6[%swap3A_227] {strides = array<i32>} : memref<8192xi32, #tpu.memory_space<vmem>>, vector<16xi32>,
      tpu.vector_store %arg6[%swap3A_227], %xor3A_226 {strides = array<i32>} : memref<8192xi32, #tpu.memory_space<vmem>>, vector<16xi32>,
      %scan3A_229 = arith.constant 0 : i32
      scf.yield %scan3A_229 : i32
    }
    %scan3A_42 = arith.constant 64 : i32
    %scan3A_43 = arith.constant -2147483648 : i32
    %scan3A_44 = arith.constant 0 : i32
    %scan3A_45 = arith.constant 32 : i32
    %scan3A_46 = arith.addi %scan3A_44, %scan3A_45 : i32
    %scan3A_47 = arith.constant 1 : i32
    %scan3A_48 = scf.for %scan3A_73 = %scan3A_44 to %scan3A_46 step %scan3A_47 iter_args(%scan3A_74 = %scan3A_43) -> (i32)  : i32 {
      %sub3A_75 = arith.constant 31 : i32
      %sub3A_76 = arith.subi %sub3A_75, %scan3A_73 : i32
      %shift_left3A = arith.constant 1 : i32
      %shift_left3A_77 = arith.shli %shift_left3A, %sub3A_76 : i32
      %add3A_78 = arith.addi %scan3A_74, %shift_left3A_77 : i32
      %broadcast_in_dim3A_79 = vector.broadcast %add3A_78 : i32 to vector<16xi32>
      %broadcast_in_dim3A_80 = arith.constant 0 : i32
      %broadcast_in_dim3A_81 = vector.broadcast %broadcast_in_dim3A_80 : i32 to vector<16xi32>
      %scan3A_82 = arith.constant 0 : i32
      %scan3A_83 = arith.constant 64 : i32
      %scan3A_84 = arith.addi %scan3A_82, %scan3A_83 : i32
      %scan3A_85 = arith.constant 1 : i32
      %scan3A_86 = scf.for %scan3A_93 = %scan3A_82 to %scan3A_84 step %scan3A_85 iter_args(%scan3A_94 = %broadcast_in_dim3A_81) -> (vector<16xi32>)  : i32 {
        %mul3A_95 = arith.constant 8 : i32
        %mul3A_96 = arith.muli %scan3A_93, %mul3A_95 : i32
        %add3A_97 = arith.constant 0 : i32
        %add3A_98 = arith.addi %mul3A_96, %add3A_97 : i32
        %mul3A_99 = arith.constant 16 : i32
        %mul3A_100 = arith.muli %add3A_98, %mul3A_99 : i32
        %get3A = arith.index_cast %mul3A_100 : i32 to index
        %get3A_101 = tpu.vector_load %arg6[%get3A] {strides = array<i32>} : memref<8192xi32, #tpu.memory_space<vmem>>, vector<16xi32>,
        %ge3A_102 = arith.cmpi sge, %get3A_101, %broadcast_in_dim3A_79 : vector<16xi32>
        %convert_element_type3A = arith.extui %ge3A_102 : vector<16xi1> to vector<16xi32>
        %add3A_103 = arith.addi %scan3A_94, %convert_element_type3A : vector<16xi32>
        %mul3A_104 = arith.constant 8 : i32
        %mul3A_105 = arith.muli %scan3A_93, %mul3A_104 : i32
        %add3A_106 = arith.constant 1 : i32
        %add3A_107 = arith.addi %mul3A_105, %add3A_106 : i32
        %mul3A_108 = arith.constant 16 : i32
        %mul3A_109 = arith.muli %add3A_107, %mul3A_108 : i32
        %get3A_110 = arith.index_cast %mul3A_109 : i32 to index
        %get3A_111 = tpu.vector_load %arg6[%get3A_110] {strides = array<i32>} : memref<8192xi32, #tpu.memory_space<vmem>>, vector<16xi32>,
        %ge3A_112 = arith.cmpi sge, %get3A_111, %broadcast_in_dim3A_79 : vector<16xi32>
        %convert_element_type3A_113 = arith.extui %ge3A_112 : vector<16xi1> to vector<16xi32>
        %add3A_114 = arith.addi %add3A_103, %convert_element_type3A_113 : vector<16xi32>
        %mul3A_115 = arith.constant 8 : i32
        %mul3A_116 = arith.muli %scan3A_93, %mul3A_115 : i32
        %add3A_117 = arith.constant 2 : i32
        %add3A_118 = arith.addi %mul3A_116, %add3A_117 : i32
        %mul3A_119 = arith.constant 16 : i32
        %mul3A_120 = arith.muli %add3A_118, %mul3A_119 : i32
        %get3A_121 = arith.index_cast %mul3A_120 : i32 to index
        %get3A_122 = tpu.vector_load %arg6[%get3A_121] {strides = array<i32>} : memref<8192xi32, #tpu.memory_space<vmem>>, vector<16xi32>,
        %ge3A_123 = arith.cmpi sge, %get3A_122, %broadcast_in_dim3A_79 : vector<16xi32>
        %convert_element_type3A_124 = arith.extui %ge3A_123 : vector<16xi1> to vector<16xi32>
        %add3A_125 = arith.addi %add3A_114, %convert_element_type3A_124 : vector<16xi32>
        %mul3A_126 = arith.constant 8 : i32
        %mul3A_127 = arith.muli %scan3A_93, %mul3A_126 : i32
        %add3A_128 = arith.constant 3 : i32
        %add3A_129 = arith.addi %mul3A_127, %add3A_128 : i32
        %mul3A_130 = arith.constant 16 : i32
        %mul3A_131 = arith.muli %add3A_129, %mul3A_130 : i32
        %get3A_132 = arith.index_cast %mul3A_131 : i32 to index
        %get3A_133 = tpu.vector_load %arg6[%get3A_132] {strides = array<i32>} : memref<8192xi32, #tpu.memory_space<vmem>>, vector<16xi32>,
        %ge3A_134 = arith.cmpi sge, %get3A_133, %broadcast_in_dim3A_79 : vector<16xi32>
        %convert_element_type3A_135 = arith.extui %ge3A_134 : vector<16xi1> to vector<16xi32>
        %add3A_136 = arith.addi %add3A_125, %convert_element_type3A_135 : vector<16xi32>
        %mul3A_137 = arith.constant 8 : i32
        %mul3A_138 = arith.muli %scan3A_93, %mul3A_137 : i32
        %add3A_139 = arith.constant 4 : i32
        %add3A_140 = arith.addi %mul3A_138, %add3A_139 : i32
        %mul3A_141 = arith.constant 16 : i32
        %mul3A_142 = arith.muli %add3A_140, %mul3A_141 : i32
        %get3A_143 = arith.index_cast %mul3A_142 : i32 to index
        %get3A_144 = tpu.vector_load %arg6[%get3A_143] {strides = array<i32>} : memref<8192xi32, #tpu.memory_space<vmem>>, vector<16xi32>,
        %ge3A_145 = arith.cmpi sge, %get3A_144, %broadcast_in_dim3A_79 : vector<16xi32>
        %convert_element_type3A_146 = arith.extui %ge3A_145 : vector<16xi1> to vector<16xi32>
        %add3A_147 = arith.addi %add3A_136, %convert_element_type3A_146 : vector<16xi32>
        %mul3A_148 = arith.constant 8 : i32
        %mul3A_149 = arith.muli %scan3A_93, %mul3A_148 : i32
        %add3A_150 = arith.constant 5 : i32
        %add3A_151 = arith.addi %mul3A_149, %add3A_150 : i32
        %mul3A_152 = arith.constant 16 : i32
        %mul3A_153 = arith.muli %add3A_151, %mul3A_152 : i32
        %get3A_154 = arith.index_cast %mul3A_153 : i32 to index
        %get3A_155 = tpu.vector_load %arg6[%get3A_154] {strides = array<i32>} : memref<8192xi32, #tpu.memory_space<vmem>>, vector<16xi32>,
        %ge3A_156 = arith.cmpi sge, %get3A_155, %broadcast_in_dim3A_79 : vector<16xi32>
        %convert_element_type3A_157 = arith.extui %ge3A_156 : vector<16xi1> to vector<16xi32>
        %add3A_158 = arith.addi %add3A_147, %convert_element_type3A_157 : vector<16xi32>
        %mul3A_159 = arith.constant 8 : i32
        %mul3A_160 = arith.muli %scan3A_93, %mul3A_159 : i32
        %add3A_161 = arith.constant 6 : i32
        %add3A_162 = arith.addi %mul3A_160, %add3A_161 : i32
        %mul3A_163 = arith.constant 16 : i32
        %mul3A_164 = arith.muli %add3A_162, %mul3A_163 : i32
        %get3A_165 = arith.index_cast %mul3A_164 : i32 to index
        %get3A_166 = tpu.vector_load %arg6[%get3A_165] {strides = array<i32>} : memref<8192xi32, #tpu.memory_space<vmem>>, vector<16xi32>,
        %ge3A_167 = arith.cmpi sge, %get3A_166, %broadcast_in_dim3A_79 : vector<16xi32>
        %convert_element_type3A_168 = arith.extui %ge3A_167 : vector<16xi1> to vector<16xi32>
        %add3A_169 = arith.addi %add3A_158, %convert_element_type3A_168 : vector<16xi32>
        %mul3A_170 = arith.constant 8 : i32
        %mul3A_171 = arith.muli %scan3A_93, %mul3A_170 : i32
        %add3A_172 = arith.constant 7 : i32
        %add3A_173 = arith.addi %mul3A_171, %add3A_172 : i32
        %mul3A_174 = arith.constant 16 : i32
        %mul3A_175 = arith.muli %add3A_173, %mul3A_174 : i32
        %get3A_176 = arith.index_cast %mul3A_175 : i32 to index
        %get3A_177 = tpu.vector_load %arg6[%get3A_176] {strides = array<i32>} : memref<8192xi32, #tpu.memory_space<vmem>>, vector<16xi32>,
        %ge3A_178 = arith.cmpi sge, %get3A_177, %broadcast_in_dim3A_79 : vector<16xi32>
        %convert_element_type3A_179 = arith.extui %ge3A_178 : vector<16xi1> to vector<16xi32>
        %add3A_180 = arith.addi %add3A_169, %convert_element_type3A_179 : vector<16xi32>
        scf.yield %add3A_180 : vector<16xi32>
      }
      %scan3A_87 = arith.constant 64 : i32
      %reduce_sum3A_88 = arith.constant true
      %reduce_sum3A_89 = vector.broadcast %reduce_sum3A_88 : i1 to vector<16xi1>
      %reduce_sum3A_90 = tpu.scan <sum>, %scan3A_86 masked %reduce_sum3A_89 : vector<16xi32>, vector<16xi1> -> vector<16xi32>
      %reduce_sum3A_91 = vector.extract %reduce_sum3A_90[15] : i32 from vector<16xi32>
      %ge3A = arith.constant 256 : i32
      %ge3A_92 = arith.cmpi sge, %reduce_sum3A_91, %ge3A : i32
      %select_n3A = arith.select %ge3A_92, %add3A_78, %scan3A_74 : i32
      scf.yield %select_n3A : i32
    }
    %scan3A_49 = arith.constant 32 : i32
    %broadcast_in_dim3A_50 = vector.broadcast %scan3A_48 : i32 to vector<16xi32>
    %broadcast_in_dim3A_51 = arith.constant 0 : i32
    %broadcast_in_dim3A_52 = vector.broadcast %broadcast_in_dim3A_51 : i32 to vector<16xi32>
    %scan3A_53 = arith.constant 0 : i32
    %scan3A_54 = arith.constant 64 : i32
    %scan3A_55 = arith.addi %scan3A_53, %scan3A_54 : i32
    %scan3A_56 = arith.constant 1 : i32
    %scan3A_57 = scf.for %scan3A_73 = %scan3A_53 to %scan3A_55 step %scan3A_56 iter_args(%scan3A_74 = %broadcast_in_dim3A_52) -> (vector<16xi32>)  : i32 {
      %mul3A_75 = arith.constant 8 : i32
      %mul3A_76 = arith.muli %scan3A_73, %mul3A_75 : i32
      %add3A_77 = arith.constant 0 : i32
      %add3A_78 = arith.addi %mul3A_76, %add3A_77 : i32
      %mul3A_79 = arith.constant 16 : i32
      %mul3A_80 = arith.muli %add3A_78, %mul3A_79 : i32
      %get3A = arith.index_cast %mul3A_80 : i32 to index
      %get3A_81 = tpu.vector_load %arg6[%get3A] {strides = array<i32>} : memref<8192xi32, #tpu.memory_space<vmem>>, vector<16xi32>,
      %gt3A = arith.cmpi sgt, %get3A_81, %broadcast_in_dim3A_50 : vector<16xi32>
      %convert_element_type3A = arith.extui %gt3A : vector<16xi1> to vector<16xi32>
      %add3A_82 = arith.addi %scan3A_74, %convert_element_type3A : vector<16xi32>
      %mul3A_83 = arith.constant 8 : i32
      %mul3A_84 = arith.muli %scan3A_73, %mul3A_83 : i32
      %add3A_85 = arith.constant 1 : i32
      %add3A_86 = arith.addi %mul3A_84, %add3A_85 : i32
      %mul3A_87 = arith.constant 16 : i32
      %mul3A_88 = arith.muli %add3A_86, %mul3A_87 : i32
      %get3A_89 = arith.index_cast %mul3A_88 : i32 to index
      %get3A_90 = tpu.vector_load %arg6[%get3A_89] {strides = array<i32>} : memref<8192xi32, #tpu.memory_space<vmem>>, vector<16xi32>,
      %gt3A_91 = arith.cmpi sgt, %get3A_90, %broadcast_in_dim3A_50 : vector<16xi32>
      %convert_element_type3A_92 = arith.extui %gt3A_91 : vector<16xi1> to vector<16xi32>
      %add3A_93 = arith.addi %add3A_82, %convert_element_type3A_92 : vector<16xi32>
      %mul3A_94 = arith.constant 8 : i32
      %mul3A_95 = arith.muli %scan3A_73, %mul3A_94 : i32
      %add3A_96 = arith.constant 2 : i32
      %add3A_97 = arith.addi %mul3A_95, %add3A_96 : i32
      %mul3A_98 = arith.constant 16 : i32
      %mul3A_99 = arith.muli %add3A_97, %mul3A_98 : i32
      %get3A_100 = arith.index_cast %mul3A_99 : i32 to index
      %get3A_101 = tpu.vector_load %arg6[%get3A_100] {strides = array<i32>} : memref<8192xi32, #tpu.memory_space<vmem>>, vector<16xi32>,
      %gt3A_102 = arith.cmpi sgt, %get3A_101, %broadcast_in_dim3A_50 : vector<16xi32>
      %convert_element_type3A_103 = arith.extui %gt3A_102 : vector<16xi1> to vector<16xi32>
      %add3A_104 = arith.addi %add3A_93, %convert_element_type3A_103 : vector<16xi32>
      %mul3A_105 = arith.constant 8 : i32
      %mul3A_106 = arith.muli %scan3A_73, %mul3A_105 : i32
      %add3A_107 = arith.constant 3 : i32
      %add3A_108 = arith.addi %mul3A_106, %add3A_107 : i32
      %mul3A_109 = arith.constant 16 : i32
      %mul3A_110 = arith.muli %add3A_108, %mul3A_109 : i32
      %get3A_111 = arith.index_cast %mul3A_110 : i32 to index
      %get3A_112 = tpu.vector_load %arg6[%get3A_111] {strides = array<i32>} : memref<8192xi32, #tpu.memory_space<vmem>>, vector<16xi32>,
      %gt3A_113 = arith.cmpi sgt, %get3A_112, %broadcast_in_dim3A_50 : vector<16xi32>
      %convert_element_type3A_114 = arith.extui %gt3A_113 : vector<16xi1> to vector<16xi32>
      %add3A_115 = arith.addi %add3A_104, %convert_element_type3A_114 : vector<16xi32>
      %mul3A_116 = arith.constant 8 : i32
      %mul3A_117 = arith.muli %scan3A_73, %mul3A_116 : i32
      %add3A_118 = arith.constant 4 : i32
      %add3A_119 = arith.addi %mul3A_117, %add3A_118 : i32
      %mul3A_120 = arith.constant 16 : i32
      %mul3A_121 = arith.muli %add3A_119, %mul3A_120 : i32
      %get3A_122 = arith.index_cast %mul3A_121 : i32 to index
      %get3A_123 = tpu.vector_load %arg6[%get3A_122] {strides = array<i32>} : memref<8192xi32, #tpu.memory_space<vmem>>, vector<16xi32>,
      %gt3A_124 = arith.cmpi sgt, %get3A_123, %broadcast_in_dim3A_50 : vector<16xi32>
      %convert_element_type3A_125 = arith.extui %gt3A_124 : vector<16xi1> to vector<16xi32>
      %add3A_126 = arith.addi %add3A_115, %convert_element_type3A_125 : vector<16xi32>
      %mul3A_127 = arith.constant 8 : i32
      %mul3A_128 = arith.muli %scan3A_73, %mul3A_127 : i32
      %add3A_129 = arith.constant 5 : i32
      %add3A_130 = arith.addi %mul3A_128, %add3A_129 : i32
      %mul3A_131 = arith.constant 16 : i32
      %mul3A_132 = arith.muli %add3A_130, %mul3A_131 : i32
      %get3A_133 = arith.index_cast %mul3A_132 : i32 to index
      %get3A_134 = tpu.vector_load %arg6[%get3A_133] {strides = array<i32>} : memref<8192xi32, #tpu.memory_space<vmem>>, vector<16xi32>,
      %gt3A_135 = arith.cmpi sgt, %get3A_134, %broadcast_in_dim3A_50 : vector<16xi32>
      %convert_element_type3A_136 = arith.extui %gt3A_135 : vector<16xi1> to vector<16xi32>
      %add3A_137 = arith.addi %add3A_126, %convert_element_type3A_136 : vector<16xi32>
      %mul3A_138 = arith.constant 8 : i32
      %mul3A_139 = arith.muli %scan3A_73, %mul3A_138 : i32
      %add3A_140 = arith.constant 6 : i32
      %add3A_141 = arith.addi %mul3A_139, %add3A_140 : i32
      %mul3A_142 = arith.constant 16 : i32
      %mul3A_143 = arith.muli %add3A_141, %mul3A_142 : i32
      %get3A_144 = arith.index_cast %mul3A_143 : i32 to index
      %get3A_145 = tpu.vector_load %arg6[%get3A_144] {strides = array<i32>} : memref<8192xi32, #tpu.memory_space<vmem>>, vector<16xi32>,
      %gt3A_146 = arith.cmpi sgt, %get3A_145, %broadcast_in_dim3A_50 : vector<16xi32>
      %convert_element_type3A_147 = arith.extui %gt3A_146 : vector<16xi1> to vector<16xi32>
      %add3A_148 = arith.addi %add3A_137, %convert_element_type3A_147 : vector<16xi32>
      %mul3A_149 = arith.constant 8 : i32
      %mul3A_150 = arith.muli %scan3A_73, %mul3A_149 : i32
      %add3A_151 = arith.constant 7 : i32
      %add3A_152 = arith.addi %mul3A_150, %add3A_151 : i32
      %mul3A_153 = arith.constant 16 : i32
      %mul3A_154 = arith.muli %add3A_152, %mul3A_153 : i32
      %get3A_155 = arith.index_cast %mul3A_154 : i32 to index
      %get3A_156 = tpu.vector_load %arg6[%get3A_155] {strides = array<i32>} : memref<8192xi32, #tpu.memory_space<vmem>>, vector<16xi32>,
      %gt3A_157 = arith.cmpi sgt, %get3A_156, %broadcast_in_dim3A_50 : vector<16xi32>
      %convert_element_type3A_158 = arith.extui %gt3A_157 : vector<16xi1> to vector<16xi32>
      %add3A_159 = arith.addi %add3A_148, %convert_element_type3A_158 : vector<16xi32>
      scf.yield %add3A_159 : vector<16xi32>
    }
    %scan3A_58 = arith.constant 64 : i32
    %reduce_sum3A_59 = arith.constant true
    %reduce_sum3A_60 = vector.broadcast %reduce_sum3A_59 : i1 to vector<16xi1>
    %reduce_sum3A_61 = tpu.scan <sum>, %scan3A_57 masked %reduce_sum3A_60 : vector<16xi32>, vector<16xi1> -> vector<16xi32>
    %reduce_sum3A_62 = vector.extract %reduce_sum3A_61[15] : i32 from vector<16xi32>
    %sub3A_63 = arith.constant 256 : i32
    %sub3A_64 = arith.subi %sub3A_63, %reduce_sum3A_62 : i32
    %broadcast_in_dim3A_65 = vector.broadcast %scan3A_48 : i32 to vector<16xi32>
    %scan3A_66 = arith.constant 0 : i32
    %scan3A_67 = arith.constant 0 : i32
    %scan3A_68 = arith.constant 512 : i32
    %scan3A_69 = arith.addi %scan3A_67, %scan3A_68 : i32
    %scan3A_70 = arith.constant 1 : i32
    %scan3A_71 = scf.for %scan3A_73 = %scan3A_67 to %scan3A_69 step %scan3A_70 iter_args(%scan3A_74 = %scan3A_66) -> (i32)  : i32 {
      %mul3A_75 = arith.constant 16 : i32
      %mul3A_76 = arith.muli %scan3A_73, %mul3A_75 : i32
      %get3A = arith.index_cast %mul3A_76 : i32 to index
      %get3A_77 = tpu.vector_load %arg6[%get3A] {strides = array<i32>} : memref<8192xi32, #tpu.memory_space<vmem>>, vector<16xi32>,
      %gt3A = arith.cmpi sgt, %get3A_77, %broadcast_in_dim3A_65 : vector<16xi32>
      %eq3A = arith.cmpi eq, %get3A_77, %broadcast_in_dim3A_65 : vector<16xi32>
      %convert_element_type3A = arith.extui %eq3A : vector<16xi1> to vector<16xi32>
      %broadcast_in_dim3A_78 = arith.constant true
      %broadcast_in_dim3A_79 = vector.broadcast %broadcast_in_dim3A_78 : i1 to vector<16xi1>
      %masked_cumsum3A = tpu.scan <sum>, %convert_element_type3A masked %broadcast_in_dim3A_79 : vector<16xi32>, vector<16xi1> -> vector<16xi32>
      %sub3A_80 = arith.subi %masked_cumsum3A, %convert_element_type3A : vector<16xi32>
      %add3A_81 = vector.broadcast %scan3A_74 : i32 to vector<16xi32>
      %add3A_82 = arith.addi %sub3A_80, %add3A_81 : vector<16xi32>
      %lt3A = vector.broadcast %sub3A_64 : i32 to vector<16xi32>
      %lt3A_83 = arith.cmpi slt, %add3A_82, %lt3A : vector<16xi32>
      %and3A = arith.andi %eq3A, %lt3A_83 : vector<16xi1>
      %or3A = arith.ori %gt3A, %and3A : vector<16xi1>
      %jit3A = arith.constant 1.000000e+00 : f32
      %jit3A_84 = arith.constant 0.000000e+00 : f32
      %broadcast_in_dim3A_85 = vector.broadcast %jit3A : f32 to vector<16xf32>
      %broadcast_in_dim3A_86 = vector.broadcast %jit3A_84 : f32 to vector<16xf32>
      %select_n3A = arith.select %or3A, %broadcast_in_dim3A_85, %broadcast_in_dim3A_86 : vector<16xi1>, vector<16xf32>
      %mul3A_87 = arith.constant 16 : i32
      %mul3A_88 = arith.muli %scan3A_73, %mul3A_87 : i32
      %swap3A = arith.constant 1 : i32
      %swap3A_89 = arith.index_cast %swap3A : i32 to index
      %swap3A_90 = arith.index_cast %mul3A_88 : i32 to index
      %swap3A_91 = tpu.vector_load %arg5[%swap3A_89, %swap3A_90] {strides = array<i32>} : memref<2x8192xf32, #tpu.memory_space<vmem>>, vector<16xf32>,
      tpu.vector_store %arg5[%swap3A_89, %swap3A_90], %select_n3A {strides = array<i32>} : memref<2x8192xf32, #tpu.memory_space<vmem>>, vector<16xf32>,
      %reduce_sum3A_92 = arith.constant true
      %reduce_sum3A_93 = vector.broadcast %reduce_sum3A_92 : i1 to vector<16xi1>
      %reduce_sum3A_94 = tpu.scan <sum>, %convert_element_type3A masked %reduce_sum3A_93 : vector<16xi32>, vector<16xi1> -> vector<16xi32>
      %reduce_sum3A_95 = vector.extract %reduce_sum3A_94[15] : i32 from vector<16xi32>
      %add3A_96 = arith.addi %scan3A_74, %reduce_sum3A_95 : i32
      scf.yield %add3A_96 : i32
    }
    %scan3A_72 = arith.constant 512 : i32
    "tpu.region"() ({
      %run_scoped3A = tpu.sem_alloc : memref<!tpu.dma_semaphore, #tpu.memory_space<semaphore_mem>>
      %dma_start3A = arith.constant 0 : i32
      %dma_start3A_73 = tpu.memref_slice %arg3[%mul3A_2, %dma_start3A] : memref<64x8192xf32, #tpu.memory_space<hbm>> -> memref<2x8192xf32, #tpu.memory_space<hbm>>
      %dma_start3A_74 = arith.constant 0 : i32
      %dma_start3A_75 = tpu.memref_slice %arg3[%mul3A_2, %dma_start3A_74] : memref<64x8192xf32, #tpu.memory_space<hbm>> -> memref<2x8192xf32, #tpu.memory_space<hbm>>
      tpu.enqueue_dma source(%arg5 : memref<2x8192xf32, #tpu.memory_space<vmem>>) target(%dma_start3A_75 : memref<2x8192xf32, #tpu.memory_space<hbm>>) target_semaphore(%run_scoped3A : memref<!tpu.dma_semaphore, #tpu.memory_space<semaphore_mem>>)
      %dma_wait3A = arith.constant 0 : i32
      %dma_wait3A_76 = tpu.memref_slice %arg3[%mul3A_2, %dma_wait3A] : memref<64x8192xf32, #tpu.memory_space<hbm>> -> memref<2x8192xf32, #tpu.memory_space<hbm>>
      %dma_wait3A_77 = arith.constant 0 : i32
      %dma_wait3A_78 = tpu.memref_slice %arg3[%mul3A_2, %dma_wait3A_77] : memref<64x8192xf32, #tpu.memory_space<hbm>> -> memref<2x8192xf32, #tpu.memory_space<hbm>>
      tpu.wait_dma2 semaphore(%run_scoped3A : memref<!tpu.dma_semaphore, #tpu.memory_space<semaphore_mem>>) src(%arg5 : memref<2x8192xf32, #tpu.memory_space<vmem>>) dst(%dma_wait3A_78 : memref<2x8192xf32, #tpu.memory_space<hbm>>)
      tpu.yield
    }) : () -> ()
    return
  }
}

</mosaic_0001>

<sc_bundles>
// kernel: kernel.3.cloned.1.call-start
scs
__scs_entry_jumppad:
0x0: {  	(pc) =	sbr.rel $0x88, $3  }
0x1: {  	(tag) =	ssettag $0x0;
	lr =	simm.s32 $0x1  }
0x2: {  	[smem:$0x3FA0] =	sst lr;
	_ =	strace $0xD0000000  }
0x3: {  	_ = 	snop  }
0x4: {  	_ = 	snop  }
0x5: {  	_ = 	snop  }
0x6: {  	_ = 	snop  }
0x7: {  	_ = 	snop  }
__scs_overlays_trampoline_lowered:
0x8: {  	[smem:$0x3FAF] =	sst s0  }
0x9: {  	[smem:$0x3FB0] =	sst s1  }
0xa: {  	[smem:$0x3FB1] =	sst s2  }
0xb: {  	[smem:$0x3FB2] =	sst s3  }
0xc: {  	[smem:$0x3FB3] =	sst s4  }
0xd: {  	[smem:$0x3FB4] =	sst s5  }
0xe: {  	[smem:$0x3FB5] =	sst s6  }
0xf: {  	[smem:$0x3FB6] =	sst s7  }
0x10: {  	[smem:$0x3FB7] =	sst s8  }
0x11: {  	[smem:$0x3FB8] =	sst s9;
	s0 =	simm.s32 @!p0 $0x0  }
0x12: {  	s1 =	sld [smem:$0x3F9E];
	s0 =	simm.s32 @p0 $0x1  }
0x13: {  	[smem:$0x3FB9] =	sst s0;
	s0 =	simm.s32 @!p1 $0x0  }
0x14: {  	s2 =	sld [smem:$0x3F9D];
	s0 =	simm.s32 @p1 $0x1  }
0x15: {  	[smem:$0x3FBA] =	sst s0;
	s0 =	simm.s32 @!p2 $0x0  }
0x16: {  	s3 =	sld [smem:$0x3FDB];
	s0 =	simm.s32 @p2 $0x1  }
0x17: {  	s4 =	simm.s32 $0x1BF5;
	[smem:$0x3FBC] =	sst s0  }
0x18: {  	s0 =	sld [smem:$0x3F9F];
	_ =	swait.ge [sflag:s4], $0x0  }
0x19: {  	s7 =	sld [smem:$0x3FA0]  }
0x1a: {  	s8 =	sadd.s32 $0xFFFFE003, lr  }
0x1b: {  	s9 =	sadd.s32 $0xFFFFFEF7, lr;
	s5 =	simm.s32 $0xFFFFFFFF;
	p2 =	slt.u32 s8, $0xFFFFF086  }
0x1c: {  	p1 =	slt.u32 s9, $0xF7A;
	s5 =	simm.s32 @!p2 $0x0  }
0x1d: {  	s5 =	simm.s32 @p1 $0x1;
	p0 =	seq.s32 s7, s2  }
0x1e: {  	s7 =	smul.u32 @!p0 $0xF7A, s2;
	p2 =	seq.s32 @!p0 s5, $0x0  }
0x1f: {  	s9 =	smul.u32 $0xF7A, s1;
	s8 =	simm.s32 @!p0 $0x1BF5;
	p2 =	por !p2, p0  }
0x20: {  	[sflag:s8] =	ssyncset.s32 @!p0 $0xFFFFF086;
	s6 =	sadd.s32 @!p0 s3, s7;
	s7 =	simm.s32 @!p0 $0x108  }
0x21: {  	s3 =	sadd.s32 s3, s9;
	s6 =	sadd.s32 @!p0 $0x88, s6;
	s7 =	simm.s32 @p2 $0x1082  }
0x22: {  	[simem:s7], [sflag:s8] =	dma.local @!p0 [hbm:s6], $0xF7A  }
0x23: {  	s9 =	sor.u32 $0xD0000000, s2;
	s6 =	simm.s32 $0x108;
	_ =	swait.ge @!p0 [sflag:s8], $0x0  }
0x24: {  	s3 =	sadd.s32 $0x88, s3;
	s6 =	simm.s32 @!p1 $0x1082;
	[sflag:s4] =	ssyncset.s32 $0xFFFFF086  }
0x25: {  	[simem:s6], [sflag:s4] =	dma.local [hbm:s3], $0xF7A  }
0x26: {  	[smem:$0x3FA0] =	sst s1;
	(tag) =	ssettag s2;
	_ =	strace s9  }
0x27: {  	s1 =	sld [smem:$0x3FB0]  }
0x28: {  	s2 =	sld [smem:$0x3FB1]  }
0x29: {  	s4 =	sld [smem:$0x3FB3]  }
0x2a: {  	p0 =	seq.s32 s5, $0x0;
	s5 =	sld [smem:$0x3FB4]  }
0x2b: {  	s6 =	sld [smem:$0x3FB5]  }
0x2c: {  	s7 =	sld [smem:$0x3FB6]  }
0x2d: {  	s3 =	simm.s32 $0x108;
	s8 =	sld [smem:$0x3FB7]  }
0x2e: {  	s3 =	simm.s32 @!p0 $0x1082;
	s9 =	sld [smem:$0x3FB8]  }
0x2f: {  	lr =	sadd.s32 s0, s3;
	s0 =	sld [smem:$0x3FAF]  }
0x30: {  	s3 =	sld [smem:$0x3FB2]  }
0x31: {  	[smem:$0x3FBB] =	sst s10  }
0x32: {  	s10 =	sld [smem:$0x3FB9];
	_ =	sdelay $0x3  }
0x33: {  	p0 =	seq.s32 s10, $0x1;
	s10 =	sld [smem:$0x3FBB];
	_ =	sdelay $0x3  }
0x34: {  	[smem:$0x3FBB] =	sst s10  }
0x35: {  	s10 =	sld [smem:$0x3FBA];
	_ =	sdelay $0x3  }
0x36: {  	p1 =	seq.s32 s10, $0x1;
	s10 =	sld [smem:$0x3FBB];
	_ =	sdelay $0x3  }
0x37: {  	[smem:$0x3FBB] =	sst s10  }
0x38: {  	s10 =	sld [smem:$0x3FBC]  }
0x39: {  	_ = 	snop;
	(pc) =	sbr.ind lr, $3  }
0x3a: {  	_ = 	snop  }
0x3b: {  	_ = 	snop  }
0x3c: {  	p2 =	seq.s32 s10, $0x1;
	s10 =	sld [smem:$0x3FBB]  }
0x3d: {  	_ =	shalt  }
0x3e: {  	_ =	shalt  }
0x3f: {  	_ =	shalt  }
0x40: {  	_ =	shalt  }
0x41: {  	_ =	shalt  }
0x42: {  	_ =	shalt  }
0x43: {  	_ =	shalt  }
0x44: {  	_ =	shalt  }
0x45: {  	_ =	shalt  }
0x46: {  	_ =	shalt  }
0x47: {  	_ =	shalt  }
0x48: {  	_ =	shalt  }
0x49: {  	_ =	shalt  }
0x4a: {  	_ =	shalt  }
0x4b: {  	_ =	shalt  }
0x4c: {  	_ =	shalt  }
0x4d: {  	_ =	shalt  }
0x4e: {  	_ =	shalt  }
0x4f: {  	_ =	shalt  }
0x50: {  	_ =	shalt  }
0x51: {  	_ =	shalt  }
0x52: {  	_ =	shalt  }
0x53: {  	_ =	shalt  }
0x54: {  	_ =	shalt  }
0x55: {  	_ =	shalt  }
0x56: {  	_ =	shalt  }
0x57: {  	_ =	shalt  }
0x58: {  	_ =	shalt  }
0x59: {  	_ =	shalt  }
0x5a: {  	_ =	shalt  }
0x5b: {  	_ =	shalt  }
0x5c: {  	_ =	shalt  }
0x5d: {  	_ =	shalt  }
0x5e: {  	_ =	shalt  }
0x5f: {  	_ =	shalt  }
0x60: {  	_ =	shalt  }
0x61: {  	_ =	shalt  }
0x62: {  	_ =	shalt  }
0x63: {  	_ =	shalt  }
0x64: {  	_ =	shalt  }
0x65: {  	_ =	shalt  }
0x66: {  	_ =	shalt  }
0x67: {  	_ =	shalt  }
0x68: {  	_ =	shalt  }
0x69: {  	_ =	shalt  }
0x6a: {  	_ =	shalt  }
0x6b: {  	_ =	shalt  }
0x6c: {  	_ =	shalt  }
0x6d: {  	_ =	shalt  }
0x6e: {  	_ =	shalt  }
0x6f: {  	_ =	shalt  }
0x70: {  	_ =	shalt  }
0x71: {  	_ =	shalt  }
0x72: {  	_ =	shalt  }
0x73: {  	_ =	shalt  }
0x74: {  	_ =	shalt  }
0x75: {  	_ =	shalt  }
0x76: {  	_ =	shalt  }
0x77: {  	_ =	shalt  }
0x78: {  	_ =	shalt  }
0x79: {  	_ =	shalt  }
0x7a: {  	_ =	shalt  }
0x7b: {  	_ =	shalt  }
0x7c: {  	_ =	shalt  }
0x7d: {  	_ =	shalt  }
0x7e: {  	_ =	shalt  }
0x7f: {  	_ =	shalt  }
0x80: {  	_ =	shalt  }
0x81: {  	_ =	shalt  }
0x82: {  	_ =	shalt  }
0x83: {  	_ =	shalt  }
0x84: {  	_ =	shalt  }
0x85: {  	_ =	shalt  }
0x86: {  	_ =	shalt  }
0x87: {  	_ =	shalt  }
.Lfunc_end0:
.L_simem_size_0:
called_computation_lowered:
.L_overlay_start_0:
0x88: {  	s2 =	sld [smem:$0x3FD9]  }
0x89: {  	s3 =	sld [smem:$0x3FFE];
	_ =	sdelay $0x1  }
0x8a: {  	s1 =	srdreg.scid  }
0x8b: {  	s0 =	sand.u32 $0x1, s1  }
0x8c: {  	s18 =	sshll.u32 s0, $0xA;
	s2 =	sadd.s32 s3, s2  }
0x8d: {  	s2 =	sadd.s32 s2, s18  }
0x8e: {  	[smem:$0x3FC7] =	sst s2  }
0x8f: {  	_ = 	snop  }
0x90: {  	s2 =	sld [smem:$0x3FC9]  }
0x91: {  	s19 =	sld [smem:$0x3FD0];
	(tm) =	ssettm $0x1  }
0x92: {  	s4 =	sld [smem:$0x3FFB];
	_ =	sdelay $0x3  }
0x93: {  	_ =	strace s4  }
0x94: {  	s4 =	sld [smem:$0x3FFC];
	_ =	sdelay $0x3  }
0x95: {  	_ =	strace s4  }
0x96: {  	s4 =	sld [smem:$0x3FFD];
	_ =	sdelay $0x3  }
0x97: {  	_ =	strace s4  }
0x98: {  	_ =	strace $0x8FFFFFFF  }
0x99: {  	s20 =	sld [smem:$0x3FDB];
	_ =	sdelay $0x1  }
0x9a: {  	s5 =	simm.s32 $_scs_section_size  }
0x9b: {  	s6 =	simm.s32 $_size__tile_overlayer_lowered;
	s7 =	simm.s32 $_tile_overlayer_lowered  }
0x9c: {  	s23 =	simm.s32 $0x1BFF;
	s22 =	sshll.u32 s7, $0x1;
	s4 =	sadd.s32 s5, s20  }
0x9d: {  	s8 =	simm.s32 $0x0;
	s21 =	sshll.u32 s6, $0x1;
	s6 =	sadd.s32 s22, s4  }
0x9e: {  	[timem:s8], [sflag:s23] =	dma.local [hbm:s6], s21  }
0x9f: {  	_ =	swait.ge [sflag:s23], s21  }
0xa0: {  	s5 =	ssub.s32 $0x0, s21;
	[sflag:s23] =	ssyncset.done $0x0  }
0xa1: {  	[sflag:s23] =	ssyncadd.s32 s5;
	_ =	sdelay $0x1  }
0xa2: {  	s24 =	simm.s32 $0x1B8B  }
0xa3: {  	_ =	swait.ge [sflag:s24], $0x1  }
0xa4: {  	[sflag:s24] =	ssyncset.done $0x0  }
0xa5: {  	s25 =	simm.s32 $0x1B8E;
	[sflag:s24] =	ssyncadd.s32 $0xFFFFFFFF  }
0xa6: {  	s26 =	simm.s32 $execute0_lowered;
	[smem:$0x3FD2] =	sst s25  }
0xa7: {  	s5 =	sshll.u32 s26, $0x1;
	_ =	strace $0x80000046;
	[dreg:$0x1] =	wrdreg $0xFFFFFFFF  }
0xa8: {  	s28 =	simm.s32 $_size_execute0_lowered;
	s4 =	sadd.s32 s4, s5;
	[dreg:$0x0] =	wrdreg $0x0  }
0xa9: {  	s5 =	sshll.u32 s28, $0x1;
	[dreg:$0x2] =	wrdreg s4  }
0xaa: {  	[dreg:$0x3] =	wrdreg s5  }
0xab: {  	[dreg:$0x4] =	wrdreg $0xC0  }
0xac: {  	_ =	task [dreg:s8], $0x5FFFF  }
0xad: {  	[dreg:$0x1] =	wrdreg $0xFFFFFFFF  }
0xae: {  	[dreg:$0x0] =	wrdreg $0x60  }
0xaf: {  	[dreg:$0x2] =	wrdreg s2  }
0xb0: {  	[dreg:$0x3] =	wrdreg s19  }
0xb1: {  	[dreg:$0x4] =	wrdreg $0x9  }
0xb2: {  	_ =	task.clear_ibuf [dreg:s8], $0x5FFFF;
	_ =	strace $0x90000046  }
0xb3: {  	s29 =	simm.s32 $0x9;
	_ =	strace $0x80000048  }
0xb4: {  	_ =	swait.ge [sflag:s29], $0x1  }
0xb5: {  	[sflag:s29] =	ssyncadd.s32 $0xFFFFFFFF  }
0xb6: {  	_ =	strace $0x90000048  }
0xb7: {  	_ =	sfence  }
0xb8: {  	s30 =	sld [smem:$0x0];
	_ =	sdelay $0x2  }
0xb9: {  	s31 =	sshll.u32 s1, $0xD;
	s1 =	sshrl.u32 s1, $0x2  }
0xba: {  	s3 =	sand.u32 $0x4000, s31;
	s1 =	sadd.s32 s1, s30  }
0xbb: {  	s0 =	sor.u32 s3, s0;
	s1 =	sshll.u32 s1, $0x11  }
0xbc: {  	s0 =	sor.u32 s1, s0  }
0xbd: {  	s0 =	sadd.s32 $0x8F2B, s0  }
0xbe: {  	[sflag:s0] =	ssyncadd.remote.s32 $0x1  }
0xbf: {  	_ =	sfence.sel $0xFFFF  }
0xc0: {  	[dreg:$0x0] =	wrdreg $0xFFFFFFFF;
	(pc) =	sbr.abs _section_cstart, $3  }
0xc1: {  	[dreg:$0x1] =	wrdreg $0xFFFFFFFF  }
0xc2: {  	_ =	task.clear_ibuf [dreg:s8], $0x2FFFF;
	_ =	strace $0x9FFFFFFF  }
0xc3: {  	(tm) =	ssettm $0x7FFFFFFF  }
tec
execute0_lowered:
.L_overlay_start_1:
0x0: {  	(tag) =	ssettag $0x1  }
0x1: {  	s3 =	rddreg [dreg:$0x0]  }
0x2: {  	s4 =	rddreg [dreg:$0x1]  }
0x3: {  	s0 =	rddreg [dreg:$0x2];
	s5 =	srdreg.scid  }
0x4: {  	s2 =	simm.s32 $0x0;
	s1 =	stileid.u32;
	s10 =	simm.s32 $0x4000  }
0x5: {  	s11 =	simm.s32 $0x0;
	s5 =	sand.u32 $0x1, s5;
	[smem:$0x7FF] =	sst s2  }
0x6: {  	s7 =	sshll.u32 s1, $0x6;
	s8 =	sshll.u32 s1, $0xC;
	s6 =	ssub.s32 $0x2, s5  }
0x7: {  	s5 =	sshll.u32 s5, $0x5;
	s7 =	sand.u32 $0x40, s7;
	s8 =	sand.u32 $0xE000, s8  }
0x8: {  	_ =	strace $0x80000047;
	s9 =	sshrl.u32 s6, $0x1;
	s5 =	sor.u32 s5, s7  }
0x9: {  	s7 =	simm.s32 $0x400;
	s6 =	ssub.s32 s6, s9;
	s5 =	sor.u32 s8, s5  }
0xa: {  	s8 =	simm.s32 $0x1;
	s9 =	simm.s32 $0x80000000;
	s3 =	sadd.s32 s3, s5  }
0xb: {  	v0 =	vimm.s32 $0x0;
	v1 =	vimm.f32 $0.0e+00;
	s4 =	sadd.s32 s4, s5;
	s5 =	smax.u32 s6, $0x1;
	s6 =	simm.s32 $0x100  }
.LBB2_1:
0xc: {  	[tilespmem:s2], [sflag:$0x1] =	stream.strided.gather [hbm4b:s3+s6], $0x4000, s7, s6, $0x38;
	[tilespmem:$0xA000] =	vst v63  }
0xd: {  	_ =	swait.ge [sflag:s8], $0x4000  }
0xe: {  	[sflag:s8] =	ssyncset.done $0x0  }
0xf: {  	s12 =	simm.s32 $0x40;
	[sflag:s8] =	ssyncadd.s32 $0xFFFFC000  }
0x10: {  	s14 =	simm.s32 $0x200;
	s13 =	simm.s32 $0x0;
	v2 =	vld [tilespmem:s12+$0xFFFFFFC0]  }
.LBB2_2:
0x11: {  	p0 =	sne.s32 s14, $0x7E00;
	_ =	sdelay $0x3  }
0x12: {  	v3 =	vshra.s32 v2, $0x1F  }
0x13: {  	v3 =	vand.u32 $0x7FFFFFFF, v3  }
0x14: {  	s15 =	sshra.s32 s13, $0x2;
	s13 =	smov.u32 s14;
	v2 =	vxor.u32 v2, v3  }
0x15: {  	[tilespmem:s15+$0x8000] =	vst v2  }
0x16: {  	v2 =	vld [tilespmem:s12+$0xFFFFFFD0];
	_ =	sdelay $0x4  }
0x17: {  	v3 =	vshra.s32 v2, $0x1F  }
0x18: {  	v3 =	vand.u32 $0x7FFFFFFF, v3  }
0x19: {  	v2 =	vxor.u32 v2, v3  }
0x1a: {  	[tilespmem:s15+$0x8010] =	vst v2  }
0x1b: {  	v2 =	vld [tilespmem:s12+$0xFFFFFFE0];
	_ =	sdelay $0x4  }
0x1c: {  	v3 =	vshra.s32 v2, $0x1F  }
0x1d: {  	v3 =	vand.u32 $0x7FFFFFFF, v3  }
0x1e: {  	v2 =	vxor.u32 v2, v3  }
0x1f: {  	[tilespmem:s15+$0x8020] =	vst v2  }
0x20: {  	v2 =	vld [tilespmem:s12+$0xFFFFFFF0];
	_ =	sdelay $0x4  }
0x21: {  	v3 =	vshra.s32 v2, $0x1F  }
0x22: {  	v3 =	vand.u32 $0x7FFFFFFF, v3  }
0x23: {  	v2 =	vxor.u32 v2, v3  }
0x24: {  	[tilespmem:s15+$0x8030] =	vst v2  }
0x25: {  	v2 =	vld [tilespmem:s12+$0x0];
	_ =	sdelay $0x4  }
0x26: {  	v3 =	vshra.s32 v2, $0x1F  }
0x27: {  	v3 =	vand.u32 $0x7FFFFFFF, v3  }
0x28: {  	v2 =	vxor.u32 v2, v3  }
0x29: {  	[tilespmem:s15+$0x8040] =	vst v2  }
0x2a: {  	v2 =	vld [tilespmem:s12+$0x10];
	_ =	sdelay $0x4  }
0x2b: {  	v3 =	vshra.s32 v2, $0x1F  }
0x2c: {  	v3 =	vand.u32 $0x7FFFFFFF, v3  }
0x2d: {  	v2 =	vxor.u32 v2, v3  }
0x2e: {  	[tilespmem:s15+$0x8050] =	vst v2  }
0x2f: {  	v2 =	vld [tilespmem:s12+$0x20];
	_ =	sdelay $0x4  }
0x30: {  	v3 =	vshra.s32 v2, $0x1F  }
0x31: {  	v3 =	vand.u32 $0x7FFFFFFF, v3  }
0x32: {  	v2 =	vxor.u32 v2, v3  }
0x33: {  	[tilespmem:s15+$0x8060] =	vst v2  }
0x34: {  	v2 =	vld [tilespmem:s12+$0x30];
	_ =	sdelay $0x4  }
.Ltmp0:
0x35: {  	v3 =	vshra.s32 v2, $0x1F;
	(pc) =	sbr.rel @p0 .LBB2_2-.Ltmp0, $4  }
0x36: {  	v3 =	vand.u32 $0x7FFFFFFF, v3  }
0x37: {  	v2 =	vxor.u32 v2, v3  }
0x38: {  	s12 =	sadd.s32 $0x100, s12;
	[tilespmem:s15+$0x8070] =	vst v2  }
0x39: {  	s14 =	sadd.s32 $0x200, s14;
	v2 =	vld [tilespmem:s12+$0xFFFFFFC0]  }
0x3a: {  	_ =	sdelay $0x3  }
0x3b: {  	v3 =	vshra.s32 v2, $0x1F  }
0x3c: {  	v3 =	vand.u32 $0x7FFFFFFF, v3  }
0x3d: {  	s13 =	sshra.s32 s13, $0x2;
	v2 =	vxor.u32 v2, v3  }
0x3e: {  	[tilespmem:s13+$0x8000] =	vst v2  }
0x3f: {  	v2 =	vld [tilespmem:s12+$0xFFFFFFD0];
	_ =	sdelay $0x4  }
0x40: {  	v3 =	vshra.s32 v2, $0x1F  }
0x41: {  	v3 =	vand.u32 $0x7FFFFFFF, v3  }
0x42: {  	v2 =	vxor.u32 v2, v3  }
0x43: {  	[tilespmem:s13+$0x8010] =	vst v2  }
0x44: {  	v2 =	vld [tilespmem:s12+$0xFFFFFFE0];
	_ =	sdelay $0x4  }
0x45: {  	v3 =	vshra.s32 v2, $0x1F  }
0x46: {  	v3 =	vand.u32 $0x7FFFFFFF, v3  }
0x47: {  	v2 =	vxor.u32 v2, v3  }
0x48: {  	[tilespmem:s13+$0x8020] =	vst v2  }
0x49: {  	v2 =	vld [tilespmem:s12+$0xFFFFFFF0];
	_ =	sdelay $0x4  }
0x4a: {  	v3 =	vshra.s32 v2, $0x1F  }
0x4b: {  	v3 =	vand.u32 $0x7FFFFFFF, v3  }
0x4c: {  	v2 =	vxor.u32 v2, v3  }
0x4d: {  	[tilespmem:s13+$0x8030] =	vst v2  }
0x4e: {  	v2 =	vld [tilespmem:s12+$0x0];
	_ =	sdelay $0x4  }
0x4f: {  	v3 =	vshra.s32 v2, $0x1F  }
0x50: {  	v3 =	vand.u32 $0x7FFFFFFF, v3  }
0x51: {  	v2 =	vxor.u32 v2, v3  }
0x52: {  	[tilespmem:s13+$0x8040] =	vst v2  }
0x53: {  	v2 =	vld [tilespmem:s12+$0x10];
	_ =	sdelay $0x4  }
0x54: {  	v3 =	vshra.s32 v2, $0x1F  }
0x55: {  	v3 =	vand.u32 $0x7FFFFFFF, v3  }
0x56: {  	v2 =	vxor.u32 v2, v3  }
0x57: {  	[tilespmem:s13+$0x8050] =	vst v2  }
0x58: {  	v2 =	vld [tilespmem:s12+$0x20];
	_ =	sdelay $0x4  }
0x59: {  	v3 =	vshra.s32 v2, $0x1F  }
0x5a: {  	v3 =	vand.u32 $0x7FFFFFFF, v3  }
0x5b: {  	v2 =	vxor.u32 v2, v3  }
0x5c: {  	[tilespmem:s13+$0x8060] =	vst v2  }
0x5d: {  	v2 =	vld [tilespmem:s12+$0x30];
	_ =	sdelay $0x4  }
0x5e: {  	v3 =	vshra.s32 v2, $0x1F  }
0x5f: {  	v3 =	vand.u32 $0x7FFFFFFF, v3  }
0x60: {  	v2 =	vxor.u32 v2, v3  }
0x61: {  	s12 =	simm.s32 $0x80000000;
	[tilespmem:s13+$0x8070] =	vst v2;
	s13 =	simm.s32 $0x0  }
.LBB2_4:
0x62: {  	s17 =	simm.s32 $0x0  }
0x63: {  	v3 =	vld [tilespmem:s17+$0x8000]  }
0x64: {  	v5 =	vld [tilespmem:s17+$0x8010]  }
0x65: {  	s14 =	sshrl.u32 s9, s13;
	v7 =	vld [tilespmem:s17+$0x8020]  }
0x66: {  	s14 =	sadd.s32 s14, s12;
	v6 =	vld [tilespmem:s17+$0x8030]  }
0x67: {  	v4 =	vld [tilespmem:s17+$0x8040];
	v2 =	vmov s14  }
0x68: {  	vm0 =	vge.s32 v3, v2;
	v3 =	vld [tilespmem:s17+$0x8050]  }
0x69: {  	v8 =	vimm.s32 $0x0;
	v9 =	vsel vm0, $0x1, v0;
	vm0 =	vge.s32 v5, v2;
	v5 =	vld [tilespmem:s17+$0x8060]  }
0x6a: {  	s15 =	simm.s32 $0x80;
	s16 =	simm.s32 $0x400;
	v8 =	vadd.s32 v9, v8;
	v9 =	vsel vm0, $0x1, v0;
	vm0 =	vge.s32 v7, v2;
	v7 =	vld [tilespmem:s17+$0x8070]  }
.LBB2_5:
0x6b: {  	p0 =	sne.s32 s16, $0x7E00;
	v10 =	vld [tilespmem:s15+$0x8000];
	v8 =	vadd.s32 v9, v8;
	v9 =	vsel vm0, $0x1, v0;
	vm0 =	vge.s32 v6, v2  }
0x6c: {  	v11 =	vld [tilespmem:s15+$0x8010];
	v6 =	vadd.s32 v9, v8;
	v8 =	vsel vm0, $0x1, v0;
	vm0 =	vge.s32 v4, v2  }
0x6d: {  	v12 =	vld [tilespmem:s15+$0x8020];
	v4 =	vadd.s32 v8, v6;
	v8 =	vsel vm0, $0x1, v0;
	vm0 =	vge.s32 v3, v2  }
.Ltmp1:
0x6e: {  	v6 =	vld [tilespmem:s15+$0x8030];
	v3 =	vadd.s32 v8, v4;
	v8 =	vsel vm0, $0x1, v0;
	vm0 =	vge.s32 v5, v2;
	(pc) =	sbr.rel @p0 .LBB2_5-.Ltmp1, $4  }
0x6f: {  	v4 =	vld [tilespmem:s15+$0x8040];
	v5 =	vadd.s32 v8, v3;
	v8 =	vsel vm0, $0x1, v0;
	vm0 =	vge.s32 v7, v2  }
0x70: {  	vm1 =	vge.s32 v10, v2;
	v3 =	vld [tilespmem:s15+$0x8050];
	v7 =	vadd.s32 v8, v5;
	v8 =	vsel vm0, $0x1, v0  }
0x71: {  	v9 =	vsel vm1, $0x1, v0;
	vm0 =	vge.s32 v11, v2;
	v5 =	vld [tilespmem:s15+$0x8060];
	v7 =	vadd.s32 v8, v7  }
0x72: {  	v8 =	vadd.s32 v9, v7;
	v9 =	vsel vm0, $0x1, v0;
	vm0 =	vge.s32 v12, v2;
	v7 =	vld [tilespmem:s15+$0x8070];
	s15 =	sshra.s32 s16, $0x2;
	s16 =	sadd.s32 $0x200, s16  }
0x73: {  	v10 =	vld [tilespmem:s15+$0x8000];
	v8 =	vadd.s32 v9, v8;
	v47 =	vsel vm0, $0x1, v0;
	vm4 =	vge.s32 v6, v2  }
0x74: {  	v48 =	vld [tilespmem:s15+$0x8010];
	v8 =	vadd.s32 v47, v8;
	v49 =	vsel vm4, $0x1, v0;
	vm5 =	vge.s32 v4, v2  }
0x75: {  	v50 =	vld [tilespmem:s15+$0x8020];
	v8 =	vadd.s32 v49, v8;
	v51 =	vsel vm5, $0x1, v0;
	vm6 =	vge.s32 v3, v2  }
0x76: {  	v3 =	vld [tilespmem:s15+$0x8030];
	v8 =	vadd.s32 v51, v8;
	v52 =	vsel vm6, $0x1, v0;
	vm7 =	vge.s32 v5, v2  }
0x77: {  	v53 =	vld [tilespmem:s15+$0x8040];
	v8 =	vadd.s32 v52, v8;
	v54 =	vsel vm7, $0x1, v0;
	vm8 =	vge.s32 v7, v2  }
0x78: {  	v55 =	vld [tilespmem:s15+$0x8050];
	vm1 =	vge.s32 v10, v2;
	v8 =	vadd.s32 v54, v8;
	v56 =	vsel vm8, $0x1, v0  }
0x79: {  	v57 =	vld [tilespmem:s15+$0x8060];
	vm9 =	vge.s32 v48, v2;
	v10 =	vsel vm1, $0x1, v0;
	v8 =	vadd.s32 v56, v8  }
0x7a: {  	v59 =	vld [tilespmem:s15+$0x8070];
	vm10 =	vge.s32 v50, v2;
	v58 =	vsel vm9, $0x1, v0;
	v8 =	vadd.s32 v10, v8  }
0x7b: {  	v60 =	vsel vm10, $0x1, v0;
	vm11 =	vge.s32 v3, v2;
	v8 =	vadd.s32 v58, v8  }
0x7c: {  	vm12 =	vge.s32 v53, v2;
	v61 =	vsel vm11, $0x1, v0;
	v3 =	vadd.s32 v60, v8  }
0x7d: {  	vm13 =	vge.s32 v55, v2;
	v5 =	vsel vm12, $0x1, v0;
	v3 =	vadd.s32 v61, v3  }
0x7e: {  	vm14 =	vge.s32 v57, v2;
	v62 =	vsel vm13, $0x1, v0;
	v3 =	vadd.s32 v5, v3  }
0x7f: {  	vm15 =	vge.s32 v59, v2;
	v63 =	vsel vm14, $0x1, v0;
	v3 =	vadd.s32 v62, v3  }
0x80: {  	v2 =	vadd.s32 v63, v3;
	v3 =	vsel vm15, $0x1, v0  }
0x81: {  	v2 =	vadd.s32 v3, v2  }
0x82: {  	(xrf0) =	vadd.scan.msk.s32 $0xffff, v2;
	_ =	sdelay $0x5  }
0x83: {  	v2, _, _ =	vpop (xrf0)  }
0x84: {  	(v2sf) =	vpush v2, $0xF;
	_ =	sdelay $0xa  }
0x85: {  	s13 =	sadd.s32 $0x1, s13  }
0x86: {  	p1 =	sne.s32 s13, $0x20  }
.Ltmp2:
0x87: {  	_ = 	snop;
	(pc) =	sbr.rel @p1 .LBB2_4-.Ltmp2, $4  }
0x88: {  	_ = 	snop  }
0x89: {  	s31 =	spop (v2sf)  }
0x8a: {  	p0 =	sgt.s32 s31, $0xFF  }
0x8b: {  	s12 =	smov.u32 @p0 s14  }
0x8c: {  	s14 =	simm.s32 $0x0  }
0x8d: {  	v3 =	vld [tilespmem:s14+$0x8000]  }
0x8e: {  	v5 =	vld [tilespmem:s14+$0x8010]  }
0x8f: {  	v7 =	vld [tilespmem:s14+$0x8020]  }
0x90: {  	v6 =	vld [tilespmem:s14+$0x8030]  }
0x91: {  	v2 =	vmov s12;
	v4 =	vld [tilespmem:s14+$0x8040]  }
0x92: {  	vm0 =	vgt.s32 v3, v2;
	v3 =	vld [tilespmem:s14+$0x8050]  }
0x93: {  	v8 =	vimm.s32 $0x0;
	v9 =	vsel vm0, $0x1, v0;
	vm0 =	vgt.s32 v5, v2;
	v5 =	vld [tilespmem:s14+$0x8060]  }
0x94: {  	s12 =	simm.s32 $0x80;
	s13 =	simm.s32 $0x400;
	v8 =	vadd.s32 v9, v8;
	v9 =	vsel vm0, $0x1, v0;
	vm0 =	vgt.s32 v7, v2;
	v7 =	vld [tilespmem:s14+$0x8070]  }
.LBB2_8:
0x95: {  	p0 =	sne.s32 s13, $0x7E00;
	v10 =	vld [tilespmem:s12+$0x8000];
	v8 =	vadd.s32 v9, v8;
	v9 =	vsel vm0, $0x1, v0;
	vm0 =	vgt.s32 v6, v2  }
0x96: {  	v11 =	vld [tilespmem:s12+$0x8010];
	v6 =	vadd.s32 v9, v8;
	v8 =	vsel vm0, $0x1, v0;
	vm0 =	vgt.s32 v4, v2  }
0x97: {  	v12 =	vld [tilespmem:s12+$0x8020];
	v4 =	vadd.s32 v8, v6;
	v8 =	vsel vm0, $0x1, v0;
	vm0 =	vgt.s32 v3, v2  }
.Ltmp3:
0x98: {  	v6 =	vld [tilespmem:s12+$0x8030];
	v3 =	vadd.s32 v8, v4;
	v8 =	vsel vm0, $0x1, v0;
	vm0 =	vgt.s32 v5, v2;
	(pc) =	sbr.rel @p0 .LBB2_8-.Ltmp3, $4  }
0x99: {  	v4 =	vld [tilespmem:s12+$0x8040];
	v5 =	vadd.s32 v8, v3;
	v8 =	vsel vm0, $0x1, v0;
	vm0 =	vgt.s32 v7, v2  }
0x9a: {  	vm1 =	vgt.s32 v10, v2;
	v3 =	vld [tilespmem:s12+$0x8050];
	v7 =	vadd.s32 v8, v5;
	v8 =	vsel vm0, $0x1, v0  }
0x9b: {  	v9 =	vsel vm1, $0x1, v0;
	vm0 =	vgt.s32 v11, v2;
	v5 =	vld [tilespmem:s12+$0x8060];
	v7 =	vadd.s32 v8, v7  }
0x9c: {  	v8 =	vadd.s32 v9, v7;
	v9 =	vsel vm0, $0x1, v0;
	vm0 =	vgt.s32 v12, v2;
	v7 =	vld [tilespmem:s12+$0x8070];
	s12 =	sshra.s32 s13, $0x2;
	s13 =	sadd.s32 $0x200, s13  }
0x9d: {  	v10 =	vld [tilespmem:s12+$0x8000];
	v8 =	vadd.s32 v9, v8;
	v55 =	vsel vm0, $0x1, v0;
	vm14 =	vgt.s32 v6, v2  }
0x9e: {  	v6 =	vld [tilespmem:s12+$0x8010];
	v8 =	vadd.s32 v55, v8;
	v56 =	vsel vm14, $0x1, v0;
	vm15 =	vgt.s32 v4, v2  }
0x9f: {  	v4 =	vld [tilespmem:s12+$0x8020];
	v8 =	vadd.s32 v56, v8;
	v57 =	vsel vm15, $0x1, v0;
	vm4 =	vgt.s32 v3, v2  }
0xa0: {  	v3 =	vld [tilespmem:s12+$0x8030];
	v8 =	vadd.s32 v57, v8;
	v58 =	vsel vm4, $0x1, v0;
	vm5 =	vgt.s32 v5, v2  }
0xa1: {  	v5 =	vld [tilespmem:s12+$0x8040];
	v8 =	vadd.s32 v58, v8;
	v59 =	vsel vm5, $0x1, v0;
	vm6 =	vgt.s32 v7, v2  }
0xa2: {  	v7 =	vld [tilespmem:s12+$0x8050];
	vm1 =	vgt.s32 v10, v2;
	v8 =	vadd.s32 v59, v8;
	v60 =	vsel vm6, $0x1, v0  }
0xa3: {  	vm7 =	vgt.s32 v6, v2;
	v6 =	vld [tilespmem:s12+$0x8060];
	v10 =	vsel vm1, $0x1, v0;
	v8 =	vadd.s32 v60, v8  }
0xa4: {  	v61 =	vsel vm7, $0x1, v0;
	vm8 =	vgt.s32 v4, v2;
	v4 =	vld [tilespmem:s12+$0x8070];
	v8 =	vadd.s32 v10, v8  }
0xa5: {  	v62 =	vsel vm8, $0x1, v0;
	vm9 =	vgt.s32 v3, v2;
	v8 =	vadd.s32 v61, v8  }
0xa6: {  	v63 =	vsel vm9, $0x1, v0;
	vm10 =	vgt.s32 v5, v2;
	v3 =	vadd.s32 v62, v8  }
0xa7: {  	v5 =	vsel vm10, $0x1, v0;
	vm11 =	vgt.s32 v7, v2;
	v3 =	vadd.s32 v63, v3  }
0xa8: {  	vm12 =	vgt.s32 v6, v2;
	v3 =	vadd.s32 v5, v3;
	v5 =	vsel vm11, $0x1, v0  }
0xa9: {  	vm13 =	vgt.s32 v4, v2;
	v3 =	vadd.s32 v5, v3;
	v5 =	vsel vm12, $0x1, v0  }
0xaa: {  	v4 =	vsel vm13, $0x1, v0;
	v3 =	vadd.s32 v5, v3  }
0xab: {  	v3 =	vadd.s32 v4, v3  }
0xac: {  	(xrf0) =	vadd.scan.msk.s32 $0xffff, v3;
	_ =	sdelay $0x5  }
0xad: {  	v3, _, _ =	vpop (xrf0)  }
0xae: {  	(v2sf) =	vpush v3, $0xF;
	_ =	sdelay $0x1  }
0xaf: {  	s30 =	simm.s32 $0x8000  }
0xb0: {  	v4 =	vld [tilespmem:s30+$0x0];
	_ =	sdelay $0x4  }
0xb1: {  	vm14 =	veq.s32 v4, v2  }
0xb2: {  	v3 =	vsel vm14, $0x1, v0  }
0xb3: {  	(xrf0) =	vadd.scan.msk.s32 $0xffff, v3;
	_ =	sdelay $0x4  }
0xb4: {  	s12 =	simm.s32 $0x0;
	v3 =	vsel vm14, $0xFFFFFFFF, v0;
	s13 =	spop (v2sf)  }
0xb5: {  	v5 =	vadd.s32 s12, v3;
	v6, _, _ =	vpop (xrf0);
	s13 =	ssub.s32 $0x100, s13  }
0xb6: {  	v5 =	vadd.s32 v6, v5;
	(v2sf) =	vpush v6, $0xF;
	v3 =	vmov s13  }
0xb7: {  	vm15 =	vlt.s32 v5, v3  }
0xb8: {  	vm2 =	vgt.s32 v4, v2;
	vm0 =	vmand vm14, vm15  }
0xb9: {  	s31 =	sand.u32 $0x70, s12;
	s14 =	sand.u32 $0x3F00, s12;
	vm0 =	vmor vm2, vm0  }
0xba: {  	s14 =	sor.u32 s31, s14;
	v4 =	vsel vm0, $0x3F800000, v1  }
0xbb: {  	s16 =	simm.s32 $0x8010;
	s17 =	simm.s32 $0x20;
	[tilespmem:s14+$0x4000] =	vst v4  }
0xbc: {  	s15 =	simm.s32 $0x0;
	s13 =	simm.s32 $0x10;
	s14 =	simm.s32 $0x0;
	v4 =	vld [tilespmem:s16+$0x0]  }
.LBB2_10:
0xbd: {  	p0 =	sne.s32 s17, $0x1FF0;
	_ =	sdelay $0x3  }
0xbe: {  	vm0 =	vgt.s32 v4, v2;
	vm1 =	veq.s32 v4, v2  }
0xbf: {  	v4 =	vsel vm1, $0xFFFFFFFF, v0;
	v5 =	vsel vm1, $0x1, v0  }
0xc0: {  	(xrf0) =	vadd.scan.msk.s32 $0xffff, v5;
	_ =	sdelay $0x1  }
0xc1: {  	s18 =	spop (v2sf)  }
0xc2: {  	s15 =	sadd.s32 s15, s18  }
0xc3: {  	v4 =	vadd.s32 s15, v4;
	_ =	sdelay $0x1  }
0xc4: {  	v5, _, _ =	vpop (xrf0)  }
0xc5: {  	v4 =	vadd.s32 v5, v4;
	(v2sf) =	vpush v5, $0xF  }
0xc6: {  	vm2 =	vlt.s32 v4, v3  }
.Ltmp4:
0xc7: {  	s14 =	sadd.s32 $0x20, s14;
	vm1 =	vmand vm1, vm2;
	(pc) =	sbr.rel @p0 .LBB2_10-.Ltmp4, $4  }
0xc8: {  	s19 =	sand.u32 $0x3F00, s14;
	s18 =	sand.u32 $0x70, s13;
	s13 =	smov.u32 s17;
	vm0 =	vmor vm0, vm1  }
0xc9: {  	s18 =	sor.u32 s18, s19;
	v4 =	vsel vm0, $0x3F800000, v1  }
0xca: {  	s16 =	sadd.s32 $0x10, s16;
	[tilespmem:s18+$0x4000] =	vst v4  }
0xcb: {  	s17 =	sadd.s32 $0x10, s17;
	v4 =	vld [tilespmem:s16+$0x0]  }
0xcc: {  	_ =	sdelay $0x3  }
0xcd: {  	vm0 =	veq.s32 v4, v2  }
0xce: {  	v5 =	vsel vm0, $0x1, v0  }
0xcf: {  	(xrf0) =	vadd.scan.msk.s32 $0xffff, v5;
	_ =	sdelay $0x5  }
0xd0: {  	v5, _, _ =	vpop (xrf0)  }
0xd1: {  	(v2sf) =	vpush v5, $0xF;
	_ =	sdelay $0x5  }
0xd2: {  	s16 =	spop (v2sf)  }
0xd3: {  	v6 =	vsel vm0, $0xFFFFFFFF, v0;
	s15 =	sadd.s32 s15, s16  }
0xd4: {  	v6 =	vadd.s32 s15, v6  }
0xd5: {  	v5 =	vadd.s32 v5, v6  }
0xd6: {  	vm1 =	vlt.s32 v5, v3  }
0xd7: {  	s14 =	sadd.s32 $0x20, s14;
	vm2 =	vgt.s32 v4, v2;
	vm0 =	vmand vm0, vm1  }
0xd8: {  	s13 =	sand.u32 $0x70, s13;
	s14 =	sand.u32 $0x3F00, s14;
	vm0 =	vmor vm2, vm0  }
0xd9: {  	s13 =	sor.u32 s13, s14;
	v2 =	vsel vm0, $0x3F800000, v1  }
0xda: {  	[tilespmem:s13+$0x4000] =	vst v2;
	s13 =	simm.s32 $0xF0  }
0xdb: {  	s14 =	simm.s32 $0x200;
	v2 =	vld [tilespmem:s13+$0xFFFFFF90];
	s31 =	spop (v2sf)  }
.LBB2_12:
0xdc: {  	p0 =	sne.s32 s14, $0x7E00;
	_ =	sdelay $0x3  }
0xdd: {  	v3 =	vshra.s32 v2, $0x1F  }
0xde: {  	v3 =	vand.u32 $0x7FFFFFFF, v3  }
0xdf: {  	s15 =	sshra.s32 s12, $0x2;
	s12 =	smov.u32 s14;
	v2 =	vxor.u32 v2, v3  }
0xe0: {  	[tilespmem:s15+$0x8000] =	vst v2  }
0xe1: {  	v2 =	vld [tilespmem:s13+$0xFFFFFFA0];
	_ =	sdelay $0x4  }
0xe2: {  	v3 =	vshra.s32 v2, $0x1F  }
0xe3: {  	v3 =	vand.u32 $0x7FFFFFFF, v3  }
0xe4: {  	v2 =	vxor.u32 v2, v3  }
0xe5: {  	[tilespmem:s15+$0x8010] =	vst v2  }
0xe6: {  	v2 =	vld [tilespmem:s13+$0xFFFFFFB0];
	_ =	sdelay $0x4  }
0xe7: {  	v3 =	vshra.s32 v2, $0x1F  }
0xe8: {  	v3 =	vand.u32 $0x7FFFFFFF, v3  }
0xe9: {  	v2 =	vxor.u32 v2, v3  }
0xea: {  	[tilespmem:s15+$0x8020] =	vst v2  }
0xeb: {  	v2 =	vld [tilespmem:s13+$0xFFFFFFC0];
	_ =	sdelay $0x4  }
0xec: {  	v3 =	vshra.s32 v2, $0x1F  }
0xed: {  	v3 =	vand.u32 $0x7FFFFFFF, v3  }
0xee: {  	v2 =	vxor.u32 v2, v3  }
0xef: {  	[tilespmem:s15+$0x8030] =	vst v2  }
0xf0: {  	v2 =	vld [tilespmem:s13+$0xFFFFFFD0];
	_ =	sdelay $0x4  }
0xf1: {  	v3 =	vshra.s32 v2, $0x1F  }
0xf2: {  	v3 =	vand.u32 $0x7FFFFFFF, v3  }
0xf3: {  	v2 =	vxor.u32 v2, v3  }
0xf4: {  	[tilespmem:s15+$0x8040] =	vst v2  }
0xf5: {  	v2 =	vld [tilespmem:s13+$0xFFFFFFE0];
	_ =	sdelay $0x4  }
0xf6: {  	v3 =	vshra.s32 v2, $0x1F  }
0xf7: {  	v3 =	vand.u32 $0x7FFFFFFF, v3  }
0xf8: {  	v2 =	vxor.u32 v2, v3  }
0xf9: {  	[tilespmem:s15+$0x8050] =	vst v2  }
0xfa: {  	v2 =	vld [tilespmem:s13+$0xFFFFFFF0];
	_ =	sdelay $0x4  }
0xfb: {  	v3 =	vshra.s32 v2, $0x1F  }
0xfc: {  	v3 =	vand.u32 $0x7FFFFFFF, v3  }
0xfd: {  	v2 =	vxor.u32 v2, v3  }
0xfe: {  	[tilespmem:s15+$0x8060] =	vst v2  }
0xff: {  	v2 =	vld [tilespmem:s13+$0x0];
	_ =	sdelay $0x4  }
.Ltmp5:
0x100: {  	v3 =	vshra.s32 v2, $0x1F;
	(pc) =	sbr.rel @p0 .LBB2_12-.Ltmp5, $4  }
0x101: {  	v3 =	vand.u32 $0x7FFFFFFF, v3  }
0x102: {  	v2 =	vxor.u32 v2, v3  }
0x103: {  	s13 =	sadd.s32 $0x100, s13;
	[tilespmem:s15+$0x8070] =	vst v2  }
0x104: {  	s14 =	sadd.s32 $0x200, s14;
	v2 =	vld [tilespmem:s13+$0xFFFFFF90]  }
0x105: {  	_ =	sdelay $0x3  }
0x106: {  	v3 =	vshra.s32 v2, $0x1F  }
0x107: {  	v3 =	vand.u32 $0x7FFFFFFF, v3  }
0x108: {  	s12 =	sshra.s32 s12, $0x2;
	v2 =	vxor.u32 v2, v3  }
0x109: {  	[tilespmem:s12+$0x8000] =	vst v2  }
0x10a: {  	v2 =	vld [tilespmem:s13+$0xFFFFFFA0];
	_ =	sdelay $0x4  }
0x10b: {  	v3 =	vshra.s32 v2, $0x1F  }
0x10c: {  	v3 =	vand.u32 $0x7FFFFFFF, v3  }
0x10d: {  	v2 =	vxor.u32 v2, v3  }
0x10e: {  	[tilespmem:s12+$0x8010] =	vst v2  }
0x10f: {  	v2 =	vld [tilespmem:s13+$0xFFFFFFB0];
	_ =	sdelay $0x4  }
0x110: {  	v3 =	vshra.s32 v2, $0x1F  }
0x111: {  	v3 =	vand.u32 $0x7FFFFFFF, v3  }
0x112: {  	v2 =	vxor.u32 v2, v3  }
0x113: {  	[tilespmem:s12+$0x8020] =	vst v2  }
0x114: {  	v2 =	vld [tilespmem:s13+$0xFFFFFFC0];
	_ =	sdelay $0x4  }
0x115: {  	v3 =	vshra.s32 v2, $0x1F  }
0x116: {  	v3 =	vand.u32 $0x7FFFFFFF, v3  }
0x117: {  	v2 =	vxor.u32 v2, v3  }
0x118: {  	[tilespmem:s12+$0x8030] =	vst v2  }
0x119: {  	v2 =	vld [tilespmem:s13+$0xFFFFFFD0];
	_ =	sdelay $0x4  }
0x11a: {  	v3 =	vshra.s32 v2, $0x1F  }
0x11b: {  	v3 =	vand.u32 $0x7FFFFFFF, v3  }
0x11c: {  	v2 =	vxor.u32 v2, v3  }
0x11d: {  	[tilespmem:s12+$0x8040] =	vst v2  }
0x11e: {  	v2 =	vld [tilespmem:s13+$0xFFFFFFE0];
	_ =	sdelay $0x4  }
0x11f: {  	v3 =	vshra.s32 v2, $0x1F  }
0x120: {  	v3 =	vand.u32 $0x7FFFFFFF, v3  }
0x121: {  	v2 =	vxor.u32 v2, v3  }
0x122: {  	[tilespmem:s12+$0x8050] =	vst v2  }
0x123: {  	v2 =	vld [tilespmem:s13+$0xFFFFFFF0];
	_ =	sdelay $0x4  }
0x124: {  	v3 =	vshra.s32 v2, $0x1F  }
0x125: {  	v3 =	vand.u32 $0x7FFFFFFF, v3  }
0x126: {  	v2 =	vxor.u32 v2, v3  }
0x127: {  	[tilespmem:s12+$0x8060] =	vst v2  }
0x128: {  	v2 =	vld [tilespmem:s13+$0x0];
	_ =	sdelay $0x4  }
0x129: {  	v3 =	vshra.s32 v2, $0x1F  }
0x12a: {  	v3 =	vand.u32 $0x7FFFFFFF, v3  }
0x12b: {  	v2 =	vxor.u32 v2, v3  }
0x12c: {  	s13 =	simm.s32 $0x0;
	[tilespmem:s12+$0x8070] =	vst v2;
	s12 =	simm.s32 $0x80000000  }
.LBB2_14:
0x12d: {  	s17 =	simm.s32 $0x0  }
0x12e: {  	v3 =	vld [tilespmem:s17+$0x8000]  }
0x12f: {  	v5 =	vld [tilespmem:s17+$0x8010]  }
0x130: {  	s14 =	sshrl.u32 s9, s13;
	v7 =	vld [tilespmem:s17+$0x8020]  }
0x131: {  	s14 =	sadd.s32 s14, s12;
	v6 =	vld [tilespmem:s17+$0x8030]  }
0x132: {  	v4 =	vld [tilespmem:s17+$0x8040];
	v2 =	vmov s14  }
0x133: {  	vm0 =	vge.s32 v3, v2;
	v3 =	vld [tilespmem:s17+$0x8050]  }
0x134: {  	v8 =	vimm.s32 $0x0;
	v9 =	vsel vm0, $0x1, v0;
	vm0 =	vge.s32 v5, v2;
	v5 =	vld [tilespmem:s17+$0x8060]  }
0x135: {  	s15 =	simm.s32 $0x80;
	s16 =	simm.s32 $0x400;
	v8 =	vadd.s32 v9, v8;
	v9 =	vsel vm0, $0x1, v0;
	vm0 =	vge.s32 v7, v2;
	v7 =	vld [tilespmem:s17+$0x8070]  }
.LBB2_15:
0x136: {  	p0 =	sne.s32 s16, $0x7E00;
	v10 =	vld [tilespmem:s15+$0x8000];
	v8 =	vadd.s32 v9, v8;
	v9 =	vsel vm0, $0x1, v0;
	vm0 =	vge.s32 v6, v2  }
0x137: {  	v11 =	vld [tilespmem:s15+$0x8010];
	v6 =	vadd.s32 v9, v8;
	v8 =	vsel vm0, $0x1, v0;
	vm0 =	vge.s32 v4, v2  }
0x138: {  	v12 =	vld [tilespmem:s15+$0x8020];
	v4 =	vadd.s32 v8, v6;
	v8 =	vsel vm0, $0x1, v0;
	vm0 =	vge.s32 v3, v2  }
.Ltmp6:
0x139: {  	v6 =	vld [tilespmem:s15+$0x8030];
	v3 =	vadd.s32 v8, v4;
	v8 =	vsel vm0, $0x1, v0;
	vm0 =	vge.s32 v5, v2;
	(pc) =	sbr.rel @p0 .LBB2_15-.Ltmp6, $4  }
0x13a: {  	v4 =	vld [tilespmem:s15+$0x8040];
	v5 =	vadd.s32 v8, v3;
	v8 =	vsel vm0, $0x1, v0;
	vm0 =	vge.s32 v7, v2  }
0x13b: {  	vm1 =	vge.s32 v10, v2;
	v3 =	vld [tilespmem:s15+$0x8050];
	v7 =	vadd.s32 v8, v5;
	v8 =	vsel vm0, $0x1, v0  }
0x13c: {  	v9 =	vsel vm1, $0x1, v0;
	vm0 =	vge.s32 v11, v2;
	v5 =	vld [tilespmem:s15+$0x8060];
	v7 =	vadd.s32 v8, v7  }
0x13d: {  	v8 =	vadd.s32 v9, v7;
	v9 =	vsel vm0, $0x1, v0;
	vm0 =	vge.s32 v12, v2;
	v7 =	vld [tilespmem:s15+$0x8070];
	s15 =	sshra.s32 s16, $0x2;
	s16 =	sadd.s32 $0x200, s16  }
0x13e: {  	v10 =	vld [tilespmem:s15+$0x8000];
	v8 =	vadd.s32 v9, v8;
	v47 =	vsel vm0, $0x1, v0;
	vm4 =	vge.s32 v6, v2  }
0x13f: {  	v48 =	vld [tilespmem:s15+$0x8010];
	v8 =	vadd.s32 v47, v8;
	v49 =	vsel vm4, $0x1, v0;
	vm5 =	vge.s32 v4, v2  }
0x140: {  	v50 =	vld [tilespmem:s15+$0x8020];
	v8 =	vadd.s32 v49, v8;
	v51 =	vsel vm5, $0x1, v0;
	vm6 =	vge.s32 v3, v2  }
0x141: {  	v3 =	vld [tilespmem:s15+$0x8030];
	v8 =	vadd.s32 v51, v8;
	v52 =	vsel vm6, $0x1, v0;
	vm7 =	vge.s32 v5, v2  }
0x142: {  	v53 =	vld [tilespmem:s15+$0x8040];
	v8 =	vadd.s32 v52, v8;
	v54 =	vsel vm7, $0x1, v0;
	vm8 =	vge.s32 v7, v2  }
0x143: {  	v55 =	vld [tilespmem:s15+$0x8050];
	vm1 =	vge.s32 v10, v2;
	v8 =	vadd.s32 v54, v8;
	v56 =	vsel vm8, $0x1, v0  }
0x144: {  	v57 =	vld [tilespmem:s15+$0x8060];
	vm9 =	vge.s32 v48, v2;
	v10 =	vsel vm1, $0x1, v0;
	v8 =	vadd.s32 v56, v8  }
0x145: {  	v59 =	vld [tilespmem:s15+$0x8070];
	vm10 =	vge.s32 v50, v2;
	v58 =	vsel vm9, $0x1, v0;
	v8 =	vadd.s32 v10, v8  }
0x146: {  	v60 =	vsel vm10, $0x1, v0;
	vm11 =	vge.s32 v3, v2;
	v8 =	vadd.s32 v58, v8  }
0x147: {  	vm12 =	vge.s32 v53, v2;
	v61 =	vsel vm11, $0x1, v0;
	v3 =	vadd.s32 v60, v8  }
0x148: {  	vm13 =	vge.s32 v55, v2;
	v5 =	vsel vm12, $0x1, v0;
	v3 =	vadd.s32 v61, v3  }
0x149: {  	vm14 =	vge.s32 v57, v2;
	v62 =	vsel vm13, $0x1, v0;
	v3 =	vadd.s32 v5, v3  }
0x14a: {  	vm15 =	vge.s32 v59, v2;
	v63 =	vsel vm14, $0x1, v0;
	v3 =	vadd.s32 v62, v3  }
0x14b: {  	v2 =	vadd.s32 v63, v3;
	v3 =	vsel vm15, $0x1, v0  }
0x14c: {  	v2 =	vadd.s32 v3, v2  }
0x14d: {  	(xrf0) =	vadd.scan.msk.s32 $0xffff, v2;
	_ =	sdelay $0x5  }
0x14e: {  	v2, _, _ =	vpop (xrf0)  }
0x14f: {  	(v2sf) =	vpush v2, $0xF;
	_ =	sdelay $0xa  }
0x150: {  	s13 =	sadd.s32 $0x1, s13  }
0x151: {  	p1 =	sne.s32 s13, $0x20  }
.Ltmp7:
0x152: {  	_ = 	snop;
	(pc) =	sbr.rel @p1 .LBB2_14-.Ltmp7, $4  }
0x153: {  	_ = 	snop  }
0x154: {  	s31 =	spop (v2sf)  }
0x155: {  	p0 =	sgt.s32 s31, $0xFF  }
0x156: {  	s12 =	smov.u32 @p0 s14  }
0x157: {  	s14 =	simm.s32 $0x0  }
0x158: {  	v3 =	vld [tilespmem:s14+$0x8000]  }
0x159: {  	v5 =	vld [tilespmem:s14+$0x8010]  }
0x15a: {  	v7 =	vld [tilespmem:s14+$0x8020]  }
0x15b: {  	v6 =	vld [tilespmem:s14+$0x8030]  }
0x15c: {  	v2 =	vmov s12;
	v4 =	vld [tilespmem:s14+$0x8040]  }
0x15d: {  	vm0 =	vgt.s32 v3, v2;
	v3 =	vld [tilespmem:s14+$0x8050]  }
0x15e: {  	v8 =	vimm.s32 $0x0;
	v9 =	vsel vm0, $0x1, v0;
	vm0 =	vgt.s32 v5, v2;
	v5 =	vld [tilespmem:s14+$0x8060]  }
0x15f: {  	s12 =	simm.s32 $0x80;
	s13 =	simm.s32 $0x400;
	v8 =	vadd.s32 v9, v8;
	v9 =	vsel vm0, $0x1, v0;
	vm0 =	vgt.s32 v7, v2;
	v7 =	vld [tilespmem:s14+$0x8070]  }
.LBB2_18:
0x160: {  	p0 =	sne.s32 s13, $0x7E00;
	v10 =	vld [tilespmem:s12+$0x8000];
	v8 =	vadd.s32 v9, v8;
	v9 =	vsel vm0, $0x1, v0;
	vm0 =	vgt.s32 v6, v2  }
0x161: {  	v11 =	vld [tilespmem:s12+$0x8010];
	v6 =	vadd.s32 v9, v8;
	v8 =	vsel vm0, $0x1, v0;
	vm0 =	vgt.s32 v4, v2  }
0x162: {  	v12 =	vld [tilespmem:s12+$0x8020];
	v4 =	vadd.s32 v8, v6;
	v8 =	vsel vm0, $0x1, v0;
	vm0 =	vgt.s32 v3, v2  }
.Ltmp8:
0x163: {  	v6 =	vld [tilespmem:s12+$0x8030];
	v3 =	vadd.s32 v8, v4;
	v8 =	vsel vm0, $0x1, v0;
	vm0 =	vgt.s32 v5, v2;
	(pc) =	sbr.rel @p0 .LBB2_18-.Ltmp8, $4  }
0x164: {  	v4 =	vld [tilespmem:s12+$0x8040];
	v5 =	vadd.s32 v8, v3;
	v8 =	vsel vm0, $0x1, v0;
	vm0 =	vgt.s32 v7, v2  }
0x165: {  	vm1 =	vgt.s32 v10, v2;
	v3 =	vld [tilespmem:s12+$0x8050];
	v7 =	vadd.s32 v8, v5;
	v8 =	vsel vm0, $0x1, v0  }
0x166: {  	v9 =	vsel vm1, $0x1, v0;
	vm0 =	vgt.s32 v11, v2;
	v5 =	vld [tilespmem:s12+$0x8060];
	v7 =	vadd.s32 v8, v7  }
0x167: {  	v8 =	vadd.s32 v9, v7;
	v9 =	vsel vm0, $0x1, v0;
	vm0 =	vgt.s32 v12, v2;
	v7 =	vld [tilespmem:s12+$0x8070];
	s12 =	sshra.s32 s13, $0x2;
	s13 =	sadd.s32 $0x200, s13  }
0x168: {  	v10 =	vld [tilespmem:s12+$0x8000];
	v8 =	vadd.s32 v9, v8;
	v55 =	vsel vm0, $0x1, v0;
	vm14 =	vgt.s32 v6, v2  }
0x169: {  	v6 =	vld [tilespmem:s12+$0x8010];
	v8 =	vadd.s32 v55, v8;
	v56 =	vsel vm14, $0x1, v0;
	vm15 =	vgt.s32 v4, v2  }
0x16a: {  	v4 =	vld [tilespmem:s12+$0x8020];
	v8 =	vadd.s32 v56, v8;
	v57 =	vsel vm15, $0x1, v0;
	vm4 =	vgt.s32 v3, v2  }
0x16b: {  	v3 =	vld [tilespmem:s12+$0x8030];
	v8 =	vadd.s32 v57, v8;
	v58 =	vsel vm4, $0x1, v0;
	vm5 =	vgt.s32 v5, v2  }
0x16c: {  	v5 =	vld [tilespmem:s12+$0x8040];
	v8 =	vadd.s32 v58, v8;
	v59 =	vsel vm5, $0x1, v0;
	vm6 =	vgt.s32 v7, v2  }
0x16d: {  	v7 =	vld [tilespmem:s12+$0x8050];
	vm1 =	vgt.s32 v10, v2;
	v8 =	vadd.s32 v59, v8;
	v60 =	vsel vm6, $0x1, v0  }
0x16e: {  	vm7 =	vgt.s32 v6, v2;
	v6 =	vld [tilespmem:s12+$0x8060];
	v10 =	vsel vm1, $0x1, v0;
	v8 =	vadd.s32 v60, v8  }
0x16f: {  	v61 =	vsel vm7, $0x1, v0;
	vm8 =	vgt.s32 v4, v2;
	v4 =	vld [tilespmem:s12+$0x8070];
	v8 =	vadd.s32 v10, v8  }
0x170: {  	v62 =	vsel vm8, $0x1, v0;
	vm9 =	vgt.s32 v3, v2;
	v8 =	vadd.s32 v61, v8  }
0x171: {  	v63 =	vsel vm9, $0x1, v0;
	vm10 =	vgt.s32 v5, v2;
	v3 =	vadd.s32 v62, v8  }
0x172: {  	v5 =	vsel vm10, $0x1, v0;
	vm11 =	vgt.s32 v7, v2;
	v3 =	vadd.s32 v63, v3  }
0x173: {  	vm12 =	vgt.s32 v6, v2;
	v3 =	vadd.s32 v5, v3;
	v5 =	vsel vm11, $0x1, v0  }
0x174: {  	vm13 =	vgt.s32 v4, v2;
	v3 =	vadd.s32 v5, v3;
	v5 =	vsel vm12, $0x1, v0  }
0x175: {  	v4 =	vsel vm13, $0x1, v0;
	v3 =	vadd.s32 v5, v3  }
0x176: {  	v3 =	vadd.s32 v4, v3  }
0x177: {  	(xrf0) =	vadd.scan.msk.s32 $0xffff, v3;
	_ =	sdelay $0x5  }
0x178: {  	v3, _, _ =	vpop (xrf0)  }
0x179: {  	(v2sf) =	vpush v3, $0xF;
	_ =	sdelay $0x1  }
0x17a: {  	s30 =	simm.s32 $0x8000  }
0x17b: {  	v4 =	vld [tilespmem:s30+$0x0];
	_ =	sdelay $0x4  }
0x17c: {  	vm14 =	veq.s32 v4, v2  }
0x17d: {  	v3 =	vsel vm14, $0x1, v0  }
0x17e: {  	(xrf0) =	vadd.scan.msk.s32 $0xffff, v3;
	_ =	sdelay $0x4  }
0x17f: {  	s12 =	simm.s32 $0x0;
	v3 =	vsel vm14, $0xFFFFFFFF, v0;
	s13 =	spop (v2sf)  }
0x180: {  	v5 =	vadd.s32 s12, v3;
	v6, _, _ =	vpop (xrf0);
	s13 =	ssub.s32 $0x100, s13  }
0x181: {  	v5 =	vadd.s32 v6, v5;
	(v2sf) =	vpush v6, $0xF;
	v3 =	vmov s13  }
0x182: {  	vm15 =	vlt.s32 v5, v3  }
0x183: {  	vm2 =	vgt.s32 v4, v2;
	vm0 =	vmand vm14, vm15  }
0x184: {  	s31 =	sand.u32 $0x70, s12;
	s14 =	sand.u32 $0x3F00, s12;
	vm0 =	vmor vm2, vm0  }
0x185: {  	s13 =	sor.u32 s31, s14;
	v4 =	vsel vm0, $0x3F800000, v1  }
0x186: {  	s15 =	simm.s32 $0x8010;
	[tilespmem:s13+$0x4080] =	vst v4  }
0x187: {  	s16 =	simm.s32 $0x20;
	s14 =	simm.s32 $0x0;
	s13 =	simm.s32 $0x10;
	v4 =	vld [tilespmem:s15+$0x0]  }
.LBB2_20:
0x188: {  	p0 =	sne.s32 s16, $0x1FF0;
	_ =	sdelay $0x3  }
0x189: {  	vm0 =	vgt.s32 v4, v2;
	vm1 =	veq.s32 v4, v2  }
0x18a: {  	v4 =	vsel vm1, $0xFFFFFFFF, v0;
	v5 =	vsel vm1, $0x1, v0  }
0x18b: {  	(xrf0) =	vadd.scan.msk.s32 $0xffff, v5;
	_ =	sdelay $0x1  }
0x18c: {  	s17 =	spop (v2sf)  }
0x18d: {  	s12 =	sadd.s32 s12, s17  }
0x18e: {  	v4 =	vadd.s32 s12, v4;
	_ =	sdelay $0x1  }
0x18f: {  	v5, _, _ =	vpop (xrf0)  }
0x190: {  	v4 =	vadd.s32 v5, v4;
	(v2sf) =	vpush v5, $0xF  }
0x191: {  	vm2 =	vlt.s32 v4, v3  }
.Ltmp9:
0x192: {  	s14 =	sadd.s32 $0x20, s14;
	vm1 =	vmand vm1, vm2;
	(pc) =	sbr.rel @p0 .LBB2_20-.Ltmp9, $4  }
0x193: {  	s18 =	sand.u32 $0x3F00, s14;
	s17 =	sand.u32 $0x70, s13;
	s13 =	smov.u32 s16;
	vm0 =	vmor vm0, vm1  }
0x194: {  	s17 =	sor.u32 s17, s18;
	v4 =	vsel vm0, $0x3F800000, v1  }
0x195: {  	s15 =	sadd.s32 $0x10, s15;
	[tilespmem:s17+$0x4080] =	vst v4  }
0x196: {  	s16 =	sadd.s32 $0x10, s16;
	v4 =	vld [tilespmem:s15+$0x0]  }
0x197: {  	_ =	sdelay $0x3  }
0x198: {  	vm0 =	veq.s32 v4, v2  }
0x199: {  	v5 =	vsel vm0, $0x1, v0  }
0x19a: {  	(xrf0) =	vadd.scan.msk.s32 $0xffff, v5;
	_ =	sdelay $0x5  }
0x19b: {  	v5, _, _ =	vpop (xrf0)  }
0x19c: {  	(v2sf) =	vpush v5, $0xF;
	_ =	sdelay $0x3  }
0x19d: {  	s15 =	spop (v2sf)  }
0x19e: {  	v6 =	vsel vm0, $0xFFFFFFFF, v0;
	s12 =	sadd.s32 s12, s15  }
0x19f: {  	v6 =	vadd.s32 s12, v6  }
0x1a0: {  	v5 =	vadd.s32 v5, v6  }
0x1a1: {  	vm1 =	vlt.s32 v5, v3  }
0x1a2: {  	s30 =	sadd.s32 $0x20, s14;
	vm2 =	vgt.s32 v4, v2;
	vm0 =	vmand vm0, vm1  }
0x1a3: {  	s13 =	sand.u32 $0x70, s13;
	s12 =	sand.u32 $0x3F00, s30;
	vm0 =	vmor vm2, vm0  }
0x1a4: {  	s11 =	sadd.s32 $0x1, s11;
	s12 =	sor.u32 s13, s12;
	v2 =	vsel vm0, $0x3F800000, v1  }
0x1a5: {  	p0 =	sne.s32 s11, s5;
	[tilespmem:s12+$0x4080] =	vst v2  }
0x1a6: {  	[hbm4b:s4+s6] =	stream.strided.scatter [tilespmem:s10], [sflag:$0x1], $0x4000, s7, s6, $0x38;
	[tilespmem:$0xA000] =	vst v63  }
.Ltmp10:
0x1a7: {  	_ = 	snop;
	(pc) =	sbr.rel @p0 .LBB2_1-.Ltmp10, $4  }
0x1a8: {  	s31 =	spop (v2sf)  }
0x1a9: {  	_ =	swait.ge [sflag:s8], $0x4000  }
0x1aa: {  	[sflag:s8] =	ssyncset.done $0x0  }
0x1ab: {  	[sflag:s8] =	ssyncadd.s32 $0xFFFFC000  }
0x1ac: {  	_ =	sfence.sel $0x180000  }
0x1ad: {  	[bflag:$0x0] =	sbarrier.arrive $0xFFFF  }
0x1ae: {  	p0 =	sne.s32 s1, $0x0;
	_ =	strace $0x90000047  }
0x1af: {  	s0 =	sadd.s32 @!p0 $0x100000, s0;
	[bflag:$0x2] =	sbarrier.arrive $0xFFFF  }
0x1b0: {  	[sflag:s0] =	ssyncadd.tile.s32 @!p0 $0x1;
	_ =	shalt  }
.Lfunc_end2:
_tile_overlayer_lowered:
.L_overlay_start_2:
0x1b1: {  	(tag) =	ssettag $0x2  }
0x1b2: {  	s0 =	rddreg [dreg:$0x0];
	s2 =	stileid.u32  }
0x1b3: {  	s1 =	rddreg [dreg:$0x1];
	p0 =	sne.s32 s2, $0x0  }
0x1b4: {  	s3 =	rddreg [dreg:$0x2];
	[bflag:$0x3] =	sbarrier.arrive $0xFFFF;
	s2 =	simm.s32 @!p0 $0x1C01  }
0x1b5: {  	[timem:s3], [sflag:s2] =	dma.local @!p0 [hbm:s0], s1  }
0x1b6: {  	s0 =	simm.s32 @!p0 $0x1  }
0x1b7: {  	_ =	swait.ge @!p0 [sflag:s0], s1  }
0x1b8: {  	s1 =	ssub.s32 @!p0 $0x0, s1;
	[sflag:s0] =	ssyncset.done @!p0 $0x0  }
0x1b9: {  	[sflag:s0] =	ssyncadd.s32 @!p0 s1  }
0x1ba: {  	[bflag:$0x3] =	sbarrier.arrive $0xFFFF  }
0x1bb: {  	_ =	shalt  }

</sc_bundles>
